<compile_context>
chip_gen: v7x
topology: tpu7x:2x2x1
jax: 0.10.2.dev20260603
libtpu: 0.0.44.dev20260713+nightly
codegen_flags: <defaults>
</compile_context>

<pallas_src>
import dataclasses
import functools

import jax
import jax.numpy as jnp
from jax import lax
from jax.experimental import pallas as pl
from jax.experimental.pallas import tpu as pltpu
from jax.experimental.pallas import tpu_sc as plsc

N = 10000
F = 128
NPAD = 10240
NC = 2
NS = 16
NW = NC * NS
CH = 128
RPT = NPAD // NS
RB = 2000

_mesh = plsc.VectorSubcoreMesh(core_axis_name="c", subcore_axis_name="s")


_sc_params = pltpu.CompilerParams()
if "needs_layout_passes" in pltpu.CompilerParams.__dataclass_fields__:
    _sc_params = dataclasses.replace(_sc_params, needs_layout_passes=False)


@functools.lru_cache(maxsize=None)
def _deg_kernel(nch):

    @functools.partial(
        pl.kernel,
        mesh=_mesh,
        compiler_params=_sc_params,
        out_type=jax.ShapeDtypeStruct((NC, NPAD), jnp.float32),
        scratch_types=[
            pltpu.VMEM((nch, CH), jnp.int32),
            pltpu.VMEM((NPAD,), jnp.float32),
            pltpu.VMEM((RPT,), jnp.float32),
            pltpu.VMEM((RPT,), jnp.float32),
            pltpu.VMEM_SHARED((NS, NPAD), jnp.float32),
        ],
    )
    def deg_k(dst_hbm, out_hbm, dst_v, hist, accv, tmpv, sh):
        c = lax.axis_index("c")
        s = lax.axis_index("s")
        t = c * NS + s
        pltpu.sync_copy(dst_hbm.at[t], dst_v)
        zz = jnp.zeros((16,), jnp.float32)
        ones = jnp.ones((16,), jnp.float32)

        @pl.loop(0, NPAD, step=16)
        def _(i):
            hist[pl.ds(i, 16)] = zz

        @pl.loop(0, nch)
        def _(k):
            @pl.loop(0, CH, step=16)
            def _(g):
                plsc.addupdate_scatter(hist, [dst_v.at[k][pl.ds(g, 16)]], ones)

        pltpu.sync_copy(hist, sh.at[s])
        plsc.subcore_barrier()

        @pl.loop(0, RPT, step=16)
        def _(i):
            accv[pl.ds(i, 16)] = zz

        for j in range(NS):
            pltpu.sync_copy(sh.at[j].at[pl.ds(s * RPT, RPT)], tmpv)

            @pl.loop(0, RPT, step=16)
            def _(i):
                accv[pl.ds(i, 16)] = accv[pl.ds(i, 16)] + tmpv[pl.ds(i, 16)]

        pltpu.sync_copy(accv, out_hbm.at[c].at[pl.ds(s * RPT, RPT)])

    return deg_k


@functools.lru_cache(maxsize=None)
def _conv_kernel(nch):

    @functools.partial(
        pl.kernel,
        mesh=_mesh,
        out_type=jax.ShapeDtypeStruct((NC, NPAD, F), jnp.float32),
        scratch_types=[
            pltpu.VMEM((nch, CH), jnp.int32),
            pltpu.VMEM((nch, CH), jnp.int32),
            pltpu.VMEM((CH, F), jnp.float32),
            pltpu.VMEM_SHARED((NPAD, F), jnp.float32),
            pltpu.SemaphoreType.DMA,
        ],
    )
    def conv_k(h_hbm, src_hbm, dst_hbm, zeros_hbm, out_hbm,
               src_v, dst_v, buf, acc_sh, gsa):
        c = lax.axis_index("c")
        s = lax.axis_index("s")
        t = c * NS + s
        pltpu.sync_copy(src_hbm.at[t], src_v)
        pltpu.sync_copy(dst_hbm.at[t], dst_v)
        pltpu.sync_copy(zeros_hbm, acc_sh.at[pl.ds(s * RPT, RPT)])
        plsc.subcore_barrier()

        @pl.loop(0, nch)
        def _(k):
            pltpu.async_copy(h_hbm.at[src_v.at[k]], buf, gsa).wait()
            pltpu.sync_copy(buf, acc_sh.at[dst_v.at[k]], add=True)

        plsc.subcore_barrier()
        pltpu.sync_copy(acc_sh.at[pl.ds(s * RPT, RPT)],
                        out_hbm.at[c].at[pl.ds(s * RPT, RPT)])

    return conv_k


def _row_spec(cols):
    return pl.BlockSpec((RB, cols), lambda i: (i, 0))


def _full_spec(shape):
    return pl.BlockSpec(shape, lambda i: (0, 0))


def _scale_matmul(x, W, dc0, dc1):

    def body(x_ref, w_ref, d0_ref, d1_ref, o_ref):
        dinv = lax.rsqrt(d0_ref[...] + d1_ref[...] + 1.0)
        h = jnp.dot(x_ref[...], w_ref[...], preferred_element_type=jnp.float32)
        o_ref[...] = h * dinv

    return pl.pallas_call(
        body,
        grid=(N // RB,),
        in_specs=[_row_spec(F), _full_spec((F, F)), _row_spec(1), _row_spec(1)],
        out_specs=_row_spec(F),
        out_shape=jax.ShapeDtypeStruct((N, F), jnp.float32),
    )(x, W, dc0, dc1)


def _mid_stage(a0, a1, hp, dc0, dc1, b_g1, w_l1, b_l1, w_g2):

    def body(a0r, a1r, hpr, d0r, d1r, bgr, wlr, blr, wgr, o_ref):
        dinv = lax.rsqrt(d0r[...] + d1r[...] + 1.0)
        z = jnp.maximum(dinv * (a0r[...] + a1r[...] + hpr[...]) + bgr[...], 0.0)
        y = jnp.dot(z, wlr[...], preferred_element_type=jnp.float32) + blr[...]
        h2 = jnp.dot(y, wgr[...], preferred_element_type=jnp.float32)
        o_ref[...] = h2 * dinv

    return pl.pallas_call(
        body,
        grid=(N // RB,),
        in_specs=[_row_spec(F), _row_spec(F), _row_spec(F), _row_spec(1),
                  _row_spec(1), _full_spec((1, F)), _full_spec((F, F)),
                  _full_spec((1, F)), _full_spec((F, F))],
        out_specs=_row_spec(F),
        out_shape=jax.ShapeDtypeStruct((N, F), jnp.float32),
    )(a0, a1, hp, dc0, dc1, b_g1, w_l1, b_l1, w_g2)


def _final_stage(a0, a1, hp, dc0, dc1, b_g2, w_l2, b_l2):

    def body(a0r, a1r, hpr, d0r, d1r, bgr, wlr, blr, o_ref):
        dinv = lax.rsqrt(d0r[...] + d1r[...] + 1.0)
        z = jnp.maximum(dinv * (a0r[...] + a1r[...] + hpr[...]) + bgr[...], 0.0)
        o_ref[...] = jnp.dot(z, wlr[...], preferred_element_type=jnp.float32) + blr[...]

    return pl.pallas_call(
        body,
        grid=(N // RB,),
        in_specs=[_row_spec(F), _row_spec(F), _row_spec(F), _row_spec(1),
                  _row_spec(1), _full_spec((1, F)), _full_spec((F, F)),
                  _full_spec((1, F))],
        out_specs=_row_spec(F),
        out_shape=jax.ShapeDtypeStruct((N, F), jnp.float32),
    )(a0, a1, hp, dc0, dc1, b_g2, w_l2, b_l2)


def kernel(x, edge_index, gc1_W, gc1_b, lin1_W, lin1_b,
           gc2_W, gc2_b, lin2_W, lin2_b):
    E = edge_index.shape[1]
    grp = NW * CH
    nch = (E + grp - 1) // grp
    L = nch * grp

    src3 = jnp.concatenate(
        [edge_index[0], jnp.zeros((L - E,), jnp.int32)]).reshape(NW, nch, CH)
    dst3 = jnp.concatenate(
        [edge_index[1], jnp.full((L - E,), N, jnp.int32)]).reshape(NW, nch, CH)

    zerosF = jnp.zeros((RPT, F), jnp.float32)

    degp = _deg_kernel(nch)(dst3)
    dc0 = degp[0, :N].reshape(N, 1)
    dc1 = degp[1, :N].reshape(N, 1)

    b_g1 = gc1_b.reshape(1, F)
    b_l1 = lin1_b.reshape(1, F)
    b_g2 = gc2_b.reshape(1, F)
    b_l2 = lin2_b.reshape(1, F)

    h1p = _scale_matmul(x, gc1_W, dc0, dc1)
    acc1 = _conv_kernel(nch)(h1p, src3, dst3, zerosF)
    h2p = _mid_stage(acc1[0, :N], acc1[1, :N], h1p, dc0, dc1,
                     b_g1, lin1_W, b_l1, gc2_W)
    acc2 = _conv_kernel(nch)(h2p, src3, dst3, zerosF)
    return _final_stage(acc2[0, :N], acc2[1, :N], h2p, dc0, dc1,
                        b_g2, lin2_W, b_l2)

# --- scband reference (transcript-rebuilt; emitter-appended) ---
"""Pipeline reference for scband-gin-41987600286250 (READ-ONLY COPY).

The authoritative reference and input builder live on the scoring server;
editing this copy changes nothing except your own understanding.
"""

import jax, jax.numpy as jnp
import numpy as np

N_NODES = 10000
N_EDGES = 320000
NFEAT = 128
NHID = 128


def gcn_conv(x, edge_index, W, b):
    # Faithful PyG GCNConv: add self-loops, symmetric normalization, linear, scatter-add, bias
    num_nodes = x.shape[0]
    src = edge_index[0]
    dst = edge_index[1]
    loop = jnp.arange(num_nodes, dtype=edge_index.dtype)
    src = jnp.concatenate([src, loop])
    dst = jnp.concatenate([dst, loop])
    ones = jnp.ones(src.shape[0], dtype=x.dtype)
    deg = jnp.zeros(num_nodes, dtype=x.dtype).at[dst].add(ones)
    deg_inv_sqrt = jnp.where(deg > 0, deg ** -0.5, 0.0)
    norm = deg_inv_sqrt[src] * deg_inv_sqrt[dst]
    h = x @ W
    msg = h[src] * norm[:, None]
    out = jnp.zeros((num_nodes, W.shape[1]), dtype=x.dtype).at[dst].add(msg)
    return out + b


def setup_inputs(seed: int = 0) -> dict:
    key = jax.random.key(seed)
    ks = jax.random.split(key, 10)
    x = jax.random.normal(ks[0], (N_NODES, NFEAT), dtype=jnp.float32)
    edge_index = jax.random.randint(ks[1], (2, N_EDGES), 0, N_NODES, dtype=jnp.int64 if jax.config.jax_enable_x64 else jnp.int32).astype(jnp.int32)
    s1 = 1.0 / np.sqrt(NFEAT)
    s2 = 1.0 / np.sqrt(NHID)
    gc1_W = jax.random.uniform(ks[2], (NFEAT, NHID), jnp.float32, -s1, s1)
    gc1_b = jnp.zeros((NHID,), jnp.float32)
    lin1_W = jax.random.uniform(ks[3], (NHID, NHID), jnp.float32, -s2, s2)
    lin1_b = jax.random.uniform(ks[4], (NHID,), jnp.float32, -s2, s2)
    gc2_W = jax.random.uniform(ks[5], (NHID, NHID), jnp.float32, -s2, s2)
    gc2_b = jnp.zeros((NHID,), jnp.float32)
    lin2_W = jax.random.uniform(ks[6], (NHID, NHID), jnp.float32, -s2, s2)
    lin2_b = jax.random.uniform(ks[7], (NHID,), jnp.float32, -s2, s2)
    return {
        'x': x, 'edge_index': edge_index,
        'gc1_W': gc1_W, 'gc1_b': gc1_b,
        'lin1_W': lin1_W, 'lin1_b': lin1_b,
        'gc2_W': gc2_W, 'gc2_b': gc2_b,
        'lin2_W': lin2_W, 'lin2_b': lin2_b,
    }


def reference(x, edge_index, gc1_W, gc1_b, lin1_W, lin1_b, gc2_W, gc2_b, lin2_W, lin2_b):
    h = gcn_conv(x, edge_index, gc1_W, gc1_b)
    h = jax.nn.relu(h)
    h = h @ lin1_W + lin1_b
    # dropout is identity in eval/deterministic reference
    h = gcn_conv(h, edge_index, gc2_W, gc2_b)
    h = jax.nn.relu(h)
    h = h @ lin2_W + lin2_b
    return h

if __name__ == "__main__":
    import jax
    _d = setup_inputs()
    print(jax.jit(kernel)(*tuple(_d.values())))

</pallas_src>

<mosaic_0001>
#map = affine_map<(d0, d1) -> (0, 0, 0)>
#map1 = affine_map<(d0, d1) -> (0, 0)>
module attributes {stable_mosaic.version = 14 : i64} {
  func.func @deg_k(%arg0: i32, %arg1: i32, %arg2: memref<32x79x128xi32, #tpu.memory_space<hbm>>, %arg3: memref<2x10240xf32, #tpu.memory_space<hbm>>, %arg4: memref<79x128xi32, #tpu.memory_space<vmem>>, %arg5: memref<10240xf32, #tpu.memory_space<vmem>>, %arg6: memref<640xf32, #tpu.memory_space<vmem>>, %arg7: memref<640xf32, #tpu.memory_space<vmem>>, %arg8: memref<16x10240xf32, #tpu.memory_space<vmem_shared>>) attributes {dimension_semantics = [#tpu.dimension_semantics<core_parallel>, #tpu.dimension_semantics<subcore_parallel>], iteration_bounds = array<i64: 2, 16>, scalar_prefetch = 0 : i64, scratch_operands = 5 : i64, tpu.core_type = #tpu.core_type<sc_vector_subcore>, window_params = [{transform_indices = #map}, {transform_indices = #map1}]} {
    %mul3A = arith.constant 16 : i32
    %mul3A_0 = arith.muli %arg0, %mul3A : i32
    %add3A = arith.addi %mul3A_0, %arg1 : i32
    "tpu.region"() ({
      %run_scoped3A_147 = tpu.sem_alloc : memref<!tpu.dma_semaphore, #tpu.memory_space<semaphore_mem>>
      %dma_start3A = arith.constant 0 : i32
      %dma_start3A_148 = arith.constant 0 : i32
      %dma_start3A_149 = tpu.memref_slice %arg2[%add3A, %dma_start3A, %dma_start3A_148] : memref<32x79x128xi32, #tpu.memory_space<hbm>> -> memref<1x79x128xi32, #tpu.memory_space<hbm>>
      %dma_start3A_150 = tpu.memref_squeeze %dma_start3A_149 : memref<1x79x128xi32, #tpu.memory_space<hbm>> -> memref<79x128xi32, #tpu.memory_space<hbm>>
      %dma_start3A_151 = arith.constant 0 : i32
      %dma_start3A_152 = arith.constant 0 : i32
      %dma_start3A_153 = tpu.memref_slice %arg2[%add3A, %dma_start3A_151, %dma_start3A_152] : memref<32x79x128xi32, #tpu.memory_space<hbm>> -> memref<1x79x128xi32, #tpu.memory_space<hbm>>
      %dma_start3A_154 = tpu.memref_squeeze %dma_start3A_153 : memref<1x79x128xi32, #tpu.memory_space<hbm>> -> memref<79x128xi32, #tpu.memory_space<hbm>>
      tpu.enqueue_dma source(%dma_start3A_154 : memref<79x128xi32, #tpu.memory_space<hbm>>) target(%arg4 : memref<79x128xi32, #tpu.memory_space<vmem>>) target_semaphore(%run_scoped3A_147 : memref<!tpu.dma_semaphore, #tpu.memory_space<semaphore_mem>>)
      %dma_wait3A = arith.constant 0 : i32
      %dma_wait3A_155 = arith.constant 0 : i32
      %dma_wait3A_156 = tpu.memref_slice %arg2[%add3A, %dma_wait3A, %dma_wait3A_155] : memref<32x79x128xi32, #tpu.memory_space<hbm>> -> memref<1x79x128xi32, #tpu.memory_space<hbm>>
      %dma_wait3A_157 = tpu.memref_squeeze %dma_wait3A_156 : memref<1x79x128xi32, #tpu.memory_space<hbm>> -> memref<79x128xi32, #tpu.memory_space<hbm>>
      %dma_wait3A_158 = arith.constant 0 : i32
      %dma_wait3A_159 = arith.constant 0 : i32
      %dma_wait3A_160 = tpu.memref_slice %arg2[%add3A, %dma_wait3A_158, %dma_wait3A_159] : memref<32x79x128xi32, #tpu.memory_space<hbm>> -> memref<1x79x128xi32, #tpu.memory_space<hbm>>
      %dma_wait3A_161 = tpu.memref_squeeze %dma_wait3A_160 : memref<1x79x128xi32, #tpu.memory_space<hbm>> -> memref<79x128xi32, #tpu.memory_space<hbm>>
      tpu.wait_dma2 semaphore(%run_scoped3A_147 : memref<!tpu.dma_semaphore, #tpu.memory_space<semaphore_mem>>) src(%dma_wait3A_161 : memref<79x128xi32, #tpu.memory_space<hbm>>) dst(%arg4 : memref<79x128xi32, #tpu.memory_space<vmem>>)
      tpu.yield
    }) : () -> ()
    %broadcast_in_dim3A = arith.constant 0.000000e+00 : f32
    %broadcast_in_dim3A_1 = vector.broadcast %broadcast_in_dim3A : f32 to vector<16xf32>
    %broadcast_in_dim3A_2 = arith.constant 1.000000e+00 : f32
    %broadcast_in_dim3A_3 = vector.broadcast %broadcast_in_dim3A_2 : f32 to vector<16xf32>
    %scan3A = arith.constant 0 : i32
    %scan3A_4 = arith.constant 640 : i32
    %scan3A_5 = arith.addi %scan3A, %scan3A_4 : i32
    %scan3A_6 = arith.constant 1 : i32
    scf.for %scan3A_147 = %scan3A to %scan3A_5 step %scan3A_6  : i32 {
      %mul3A_148 = arith.constant 16 : i32
      %mul3A_149 = arith.muli %scan3A_147, %mul3A_148 : i32
      %add3A_150 = arith.constant 0 : i32
      %add3A_151 = arith.addi %add3A_150, %mul3A_149 : i32
      %swap3A = arith.index_cast %add3A_151 : i32 to index
      %swap3A_152 = tpu.vector_load %arg5[%swap3A] {strides = array<i32>} : memref<10240xf32, #tpu.memory_space<vmem>>, vector<16xf32>,
      tpu.vector_store %arg5[%swap3A], %broadcast_in_dim3A_1 {strides = array<i32>} : memref<10240xf32, #tpu.memory_space<vmem>>, vector<16xf32>,
    }
    %scan3A_7 = arith.constant 640 : i32
    %scan3A_8 = arith.constant 0 : i32
    %scan3A_9 = arith.constant 79 : i32
    %scan3A_10 = arith.addi %scan3A_8, %scan3A_9 : i32
    %scan3A_11 = arith.constant 1 : i32
    scf.for %scan3A_147 = %scan3A_8 to %scan3A_10 step %scan3A_11  : i32 {
      %mul3A_148 = arith.constant 1 : i32
      %mul3A_149 = arith.muli %scan3A_147, %mul3A_148 : i32
      %add3A_150 = arith.constant 0 : i32
      %add3A_151 = arith.addi %add3A_150, %mul3A_149 : i32
      %scan3A_152 = arith.constant 0 : i32
      %scan3A_153 = arith.constant 8 : i32
      %scan3A_154 = arith.addi %scan3A_152, %scan3A_153 : i32
      %scan3A_155 = arith.constant 1 : i32
      scf.for %scan3A_157 = %scan3A_152 to %scan3A_154 step %scan3A_155  : i32 {
        %mul3A_158 = arith.constant 16 : i32
        %mul3A_159 = arith.muli %scan3A_157, %mul3A_158 : i32
        %add3A_160 = arith.constant 0 : i32
        %add3A_161 = arith.addi %add3A_160, %mul3A_159 : i32
        %get3A = arith.constant 0 : i32
        %get3A_162 = tpu.memref_slice %arg4[%add3A_151, %get3A] : memref<79x128xi32, #tpu.memory_space<vmem>> -> memref<1x128xi32, #tpu.memory_space<vmem>>
        %get3A_163 = tpu.memref_squeeze %get3A_162 : memref<1x128xi32, #tpu.memory_space<vmem>> -> memref<128xi32, #tpu.memory_space<vmem>>
        %get3A_164 = arith.index_cast %add3A_161 : i32 to index
        %get3A_165 = tpu.vector_load %get3A_163[%get3A_164] {strides = array<i32>} : memref<128xi32, #tpu.memory_space<vmem>>, vector<16xi32>,
        tpu.vector_store_idx %arg5[%get3A_165], %broadcast_in_dim3A_3 {add = true} : memref<10240xf32, #tpu.memory_space<vmem>>[vector<16xi32>], vector<16xf32>,
      }
      %scan3A_156 = arith.constant 8 : i32
    }
    %scan3A_12 = arith.constant 79 : i32
    "tpu.region"() ({
      %run_scoped3A_147 = tpu.sem_alloc : memref<!tpu.dma_semaphore, #tpu.memory_space<semaphore_mem>>
      %dma_start3A = arith.constant 0 : i32
      %dma_start3A_148 = tpu.memref_slice %arg8[%arg1, %dma_start3A] : memref<16x10240xf32, #tpu.memory_space<vmem_shared>> -> memref<1x10240xf32, #tpu.memory_space<vmem_shared>>
      %dma_start3A_149 = tpu.memref_squeeze %dma_start3A_148 : memref<1x10240xf32, #tpu.memory_space<vmem_shared>> -> memref<10240xf32, #tpu.memory_space<vmem_shared>>
      %dma_start3A_150 = arith.constant 0 : i32
      %dma_start3A_151 = tpu.memref_slice %arg8[%arg1, %dma_start3A_150] : memref<16x10240xf32, #tpu.memory_space<vmem_shared>> -> memref<1x10240xf32, #tpu.memory_space<vmem_shared>>
      %dma_start3A_152 = tpu.memref_squeeze %dma_start3A_151 : memref<1x10240xf32, #tpu.memory_space<vmem_shared>> -> memref<10240xf32, #tpu.memory_space<vmem_shared>>
      tpu.enqueue_dma source(%arg5 : memref<10240xf32, #tpu.memory_space<vmem>>) target(%dma_start3A_152 : memref<10240xf32, #tpu.memory_space<vmem_shared>>) target_semaphore(%run_scoped3A_147 : memref<!tpu.dma_semaphore, #tpu.memory_space<semaphore_mem>>)
      %dma_wait3A = arith.constant 0 : i32
      %dma_wait3A_153 = tpu.memref_slice %arg8[%arg1, %dma_wait3A] : memref<16x10240xf32, #tpu.memory_space<vmem_shared>> -> memref<1x10240xf32, #tpu.memory_space<vmem_shared>>
      %dma_wait3A_154 = tpu.memref_squeeze %dma_wait3A_153 : memref<1x10240xf32, #tpu.memory_space<vmem_shared>> -> memref<10240xf32, #tpu.memory_space<vmem_shared>>
      %dma_wait3A_155 = arith.constant 0 : i32
      %dma_wait3A_156 = tpu.memref_slice %arg8[%arg1, %dma_wait3A_155] : memref<16x10240xf32, #tpu.memory_space<vmem_shared>> -> memref<1x10240xf32, #tpu.memory_space<vmem_shared>>
      %dma_wait3A_157 = tpu.memref_squeeze %dma_wait3A_156 : memref<1x10240xf32, #tpu.memory_space<vmem_shared>> -> memref<10240xf32, #tpu.memory_space<vmem_shared>>
      tpu.wait_dma2 semaphore(%run_scoped3A_147 : memref<!tpu.dma_semaphore, #tpu.memory_space<semaphore_mem>>) src(%arg5 : memref<10240xf32, #tpu.memory_space<vmem>>) dst(%dma_wait3A_157 : memref<10240xf32, #tpu.memory_space<vmem_shared>>)
      tpu.yield
    }) : () -> ()
    %barrier3A = arith.constant 0 : index
    tpu.barrier barrier_id(%barrier3A)
    %scan3A_13 = arith.constant 0 : i32
    %scan3A_14 = arith.constant 40 : i32
    %scan3A_15 = arith.addi %scan3A_13, %scan3A_14 : i32
    %scan3A_16 = arith.constant 1 : i32
    scf.for %scan3A_147 = %scan3A_13 to %scan3A_15 step %scan3A_16  : i32 {
      %mul3A_148 = arith.constant 16 : i32
      %mul3A_149 = arith.muli %scan3A_147, %mul3A_148 : i32
      %add3A_150 = arith.constant 0 : i32
      %add3A_151 = arith.addi %add3A_150, %mul3A_149 : i32
      %swap3A = arith.index_cast %add3A_151 : i32 to index
      %swap3A_152 = tpu.vector_load %arg6[%swap3A] {strides = array<i32>} : memref<640xf32, #tpu.memory_space<vmem>>, vector<16xf32>,
      tpu.vector_store %arg6[%swap3A], %broadcast_in_dim3A_1 {strides = array<i32>} : memref<640xf32, #tpu.memory_space<vmem>>, vector<16xf32>,
    }
    %scan3A_17 = arith.constant 40 : i32
    %mul3A_18 = arith.constant 640 : i32
    %mul3A_19 = arith.muli %arg1, %mul3A_18 : i32
    %run_scoped3A = arith.constant 0 : i32
    "tpu.region"() ({
      %run_scoped3A_147 = tpu.sem_alloc : memref<!tpu.dma_semaphore, #tpu.memory_space<semaphore_mem>>
      %dma_start3A = arith.constant 0 : i32
      %dma_start3A_148 = tpu.memref_slice %arg8[%run_scoped3A, %dma_start3A] : memref<16x10240xf32, #tpu.memory_space<vmem_shared>> -> memref<1x10240xf32, #tpu.memory_space<vmem_shared>>
      %dma_start3A_149 = tpu.memref_squeeze %dma_start3A_148 : memref<1x10240xf32, #tpu.memory_space<vmem_shared>> -> memref<10240xf32, #tpu.memory_space<vmem_shared>>
      %dma_start3A_150 = tpu.memref_slice %dma_start3A_149[%mul3A_19] : memref<10240xf32, #tpu.memory_space<vmem_shared>> -> memref<640xf32, #tpu.memory_space<vmem_shared>>
      %dma_start3A_151 = arith.constant 0 : i32
      %dma_start3A_152 = tpu.memref_slice %arg8[%run_scoped3A, %dma_start3A_151] : memref<16x10240xf32, #tpu.memory_space<vmem_shared>> -> memref<1x10240xf32, #tpu.memory_space<vmem_shared>>
      %dma_start3A_153 = tpu.memref_squeeze %dma_start3A_152 : memref<1x10240xf32, #tpu.memory_space<vmem_shared>> -> memref<10240xf32, #tpu.memory_space<vmem_shared>>
      %dma_start3A_154 = tpu.memref_slice %dma_start3A_153[%mul3A_19] : memref<10240xf32, #tpu.memory_space<vmem_shared>> -> memref<640xf32, #tpu.memory_space<vmem_shared>>
      tpu.enqueue_dma source(%dma_start3A_154 : memref<640xf32, #tpu.memory_space<vmem_shared>>) target(%arg7 : memref<640xf32, #tpu.memory_space<vmem>>) target_semaphore(%run_scoped3A_147 : memref<!tpu.dma_semaphore, #tpu.memory_space<semaphore_mem>>)
      %dma_wait3A = arith.constant 0 : i32
      %dma_wait3A_155 = tpu.memref_slice %arg8[%run_scoped3A, %dma_wait3A] : memref<16x10240xf32, #tpu.memory_space<vmem_shared>> -> memref<1x10240xf32, #tpu.memory_space<vmem_shared>>
      %dma_wait3A_156 = tpu.memref_squeeze %dma_wait3A_155 : memref<1x10240xf32, #tpu.memory_space<vmem_shared>> -> memref<10240xf32, #tpu.memory_space<vmem_shared>>
      %dma_wait3A_157 = tpu.memref_slice %dma_wait3A_156[%mul3A_19] : memref<10240xf32, #tpu.memory_space<vmem_shared>> -> memref<640xf32, #tpu.memory_space<vmem_shared>>
      %dma_wait3A_158 = arith.constant 0 : i32
      %dma_wait3A_159 = tpu.memref_slice %arg8[%run_scoped3A, %dma_wait3A_158] : memref<16x10240xf32, #tpu.memory_space<vmem_shared>> -> memref<1x10240xf32, #tpu.memory_space<vmem_shared>>
      %dma_wait3A_160 = tpu.memref_squeeze %dma_wait3A_159 : memref<1x10240xf32, #tpu.memory_space<vmem_shared>> -> memref<10240xf32, #tpu.memory_space<vmem_shared>>
      %dma_wait3A_161 = tpu.memref_slice %dma_wait3A_160[%mul3A_19] : memref<10240xf32, #tpu.memory_space<vmem_shared>> -> memref<640xf32, #tpu.memory_space<vmem_shared>>
      tpu.wait_dma2 semaphore(%run_scoped3A_147 : memref<!tpu.dma_semaphore, #tpu.memory_space<semaphore_mem>>) src(%dma_wait3A_161 : memref<640xf32, #tpu.memory_space<vmem_shared>>) dst(%arg7 : memref<640xf32, #tpu.memory_space<vmem>>)
      tpu.yield
    }) : () -> ()
    %scan3A_20 = arith.constant 0 : i32
    %scan3A_21 = arith.constant 40 : i32
    %scan3A_22 = arith.addi %scan3A_20, %scan3A_21 : i32
    %scan3A_23 = arith.constant 1 : i32
    scf.for %scan3A_147 = %scan3A_20 to %scan3A_22 step %scan3A_23  : i32 {
      %mul3A_148 = arith.constant 16 : i32
      %mul3A_149 = arith.muli %scan3A_147, %mul3A_148 : i32
      %add3A_150 = arith.constant 0 : i32
      %add3A_151 = arith.addi %add3A_150, %mul3A_149 : i32
      %get3A = arith.index_cast %add3A_151 : i32 to index
      %get3A_152 = tpu.vector_load %arg6[%get3A] {strides = array<i32>} : memref<640xf32, #tpu.memory_space<vmem>>, vector<16xf32>,
      %get3A_153 = arith.index_cast %add3A_151 : i32 to index
      %get3A_154 = tpu.vector_load %arg7[%get3A_153] {strides = array<i32>} : memref<640xf32, #tpu.memory_space<vmem>>, vector<16xf32>,
      %add3A_155 = arith.addf %get3A_152, %get3A_154 : vector<16xf32>
      %swap3A = arith.index_cast %add3A_151 : i32 to index
      %swap3A_156 = tpu.vector_load %arg6[%swap3A] {strides = array<i32>} : memref<640xf32, #tpu.memory_space<vmem>>, vector<16xf32>,
      tpu.vector_store %arg6[%swap3A], %add3A_155 {strides = array<i32>} : memref<640xf32, #tpu.memory_space<vmem>>, vector<16xf32>,
    }
    %scan3A_24 = arith.constant 40 : i32
    %mul3A_25 = arith.constant 640 : i32
    %mul3A_26 = arith.muli %arg1, %mul3A_25 : i32
    %run_scoped3A_27 = arith.constant 1 : i32
    "tpu.region"() ({
      %run_scoped3A_147 = tpu.sem_alloc : memref<!tpu.dma_semaphore, #tpu.memory_space<semaphore_mem>>
      %dma_start3A = arith.constant 0 : i32
      %dma_start3A_148 = tpu.memref_slice %arg8[%run_scoped3A_27, %dma_start3A] : memref<16x10240xf32, #tpu.memory_space<vmem_shared>> -> memref<1x10240xf32, #tpu.memory_space<vmem_shared>>
      %dma_start3A_149 = tpu.memref_squeeze %dma_start3A_148 : memref<1x10240xf32, #tpu.memory_space<vmem_shared>> -> memref<10240xf32, #tpu.memory_space<vmem_shared>>
      %dma_start3A_150 = tpu.memref_slice %dma_start3A_149[%mul3A_26] : memref<10240xf32, #tpu.memory_space<vmem_shared>> -> memref<640xf32, #tpu.memory_space<vmem_shared>>
      %dma_start3A_151 = arith.constant 0 : i32
      %dma_start3A_152 = tpu.memref_slice %arg8[%run_scoped3A_27, %dma_start3A_151] : memref<16x10240xf32, #tpu.memory_space<vmem_shared>> -> memref<1x10240xf32, #tpu.memory_space<vmem_shared>>
      %dma_start3A_153 = tpu.memref_squeeze %dma_start3A_152 : memref<1x10240xf32, #tpu.memory_space<vmem_shared>> -> memref<10240xf32, #tpu.memory_space<vmem_shared>>
      %dma_start3A_154 = tpu.memref_slice %dma_start3A_153[%mul3A_26] : memref<10240xf32, #tpu.memory_space<vmem_shared>> -> memref<640xf32, #tpu.memory_space<vmem_shared>>
      tpu.enqueue_dma source(%dma_start3A_154 : memref<640xf32, #tpu.memory_space<vmem_shared>>) target(%arg7 : memref<640xf32, #tpu.memory_space<vmem>>) target_semaphore(%run_scoped3A_147 : memref<!tpu.dma_semaphore, #tpu.memory_space<semaphore_mem>>)
      %dma_wait3A = arith.constant 0 : i32
      %dma_wait3A_155 = tpu.memref_slice %arg8[%run_scoped3A_27, %dma_wait3A] : memref<16x10240xf32, #tpu.memory_space<vmem_shared>> -> memref<1x10240xf32, #tpu.memory_space<vmem_shared>>
      %dma_wait3A_156 = tpu.memref_squeeze %dma_wait3A_155 : memref<1x10240xf32, #tpu.memory_space<vmem_shared>> -> memref<10240xf32, #tpu.memory_space<vmem_shared>>
      %dma_wait3A_157 = tpu.memref_slice %dma_wait3A_156[%mul3A_26] : memref<10240xf32, #tpu.memory_space<vmem_shared>> -> memref<640xf32, #tpu.memory_space<vmem_shared>>
      %dma_wait3A_158 = arith.constant 0 : i32
      %dma_wait3A_159 = tpu.memref_slice %arg8[%run_scoped3A_27, %dma_wait3A_158] : memref<16x10240xf32, #tpu.memory_space<vmem_shared>> -> memref<1x10240xf32, #tpu.memory_space<vmem_shared>>
      %dma_wait3A_160 = tpu.memref_squeeze %dma_wait3A_159 : memref<1x10240xf32, #tpu.memory_space<vmem_shared>> -> memref<10240xf32, #tpu.memory_space<vmem_shared>>
      %dma_wait3A_161 = tpu.memref_slice %dma_wait3A_160[%mul3A_26] : memref<10240xf32, #tpu.memory_space<vmem_shared>> -> memref<640xf32, #tpu.memory_space<vmem_shared>>
      tpu.wait_dma2 semaphore(%run_scoped3A_147 : memref<!tpu.dma_semaphore, #tpu.memory_space<semaphore_mem>>) src(%dma_wait3A_161 : memref<640xf32, #tpu.memory_space<vmem_shared>>) dst(%arg7 : memref<640xf32, #tpu.memory_space<vmem>>)
      tpu.yield
    }) : () -> ()
    %scan3A_28 = arith.constant 0 : i32
    %scan3A_29 = arith.constant 40 : i32
    %scan3A_30 = arith.addi %scan3A_28, %scan3A_29 : i32
    %scan3A_31 = arith.constant 1 : i32
    scf.for %scan3A_147 = %scan3A_28 to %scan3A_30 step %scan3A_31  : i32 {
      %mul3A_148 = arith.constant 16 : i32
      %mul3A_149 = arith.muli %scan3A_147, %mul3A_148 : i32
      %add3A_150 = arith.constant 0 : i32
      %add3A_151 = arith.addi %add3A_150, %mul3A_149 : i32
      %get3A = arith.index_cast %add3A_151 : i32 to index
      %get3A_152 = tpu.vector_load %arg6[%get3A] {strides = array<i32>} : memref<640xf32, #tpu.memory_space<vmem>>, vector<16xf32>,
      %get3A_153 = arith.index_cast %add3A_151 : i32 to index
      %get3A_154 = tpu.vector_load %arg7[%get3A_153] {strides = array<i32>} : memref<640xf32, #tpu.memory_space<vmem>>, vector<16xf32>,
      %add3A_155 = arith.addf %get3A_152, %get3A_154 : vector<16xf32>
      %swap3A = arith.index_cast %add3A_151 : i32 to index
      %swap3A_156 = tpu.vector_load %arg6[%swap3A] {strides = array<i32>} : memref<640xf32, #tpu.memory_space<vmem>>, vector<16xf32>,
      tpu.vector_store %arg6[%swap3A], %add3A_155 {strides = array<i32>} : memref<640xf32, #tpu.memory_space<vmem>>, vector<16xf32>,
    }
    %scan3A_32 = arith.constant 40 : i32
    %mul3A_33 = arith.constant 640 : i32
    %mul3A_34 = arith.muli %arg1, %mul3A_33 : i32
    %run_scoped3A_35 = arith.constant 2 : i32
    "tpu.region"() ({
      %run_scoped3A_147 = tpu.sem_alloc : memref<!tpu.dma_semaphore, #tpu.memory_space<semaphore_mem>>
      %dma_start3A = arith.constant 0 : i32
      %dma_start3A_148 = tpu.memref_slice %arg8[%run_scoped3A_35, %dma_start3A] : memref<16x10240xf32, #tpu.memory_space<vmem_shared>> -> memref<1x10240xf32, #tpu.memory_space<vmem_shared>>
      %dma_start3A_149 = tpu.memref_squeeze %dma_start3A_148 : memref<1x10240xf32, #tpu.memory_space<vmem_shared>> -> memref<10240xf32, #tpu.memory_space<vmem_shared>>
      %dma_start3A_150 = tpu.memref_slice %dma_start3A_149[%mul3A_34] : memref<10240xf32, #tpu.memory_space<vmem_shared>> -> memref<640xf32, #tpu.memory_space<vmem_shared>>
      %dma_start3A_151 = arith.constant 0 : i32
      %dma_start3A_152 = tpu.memref_slice %arg8[%run_scoped3A_35, %dma_start3A_151] : memref<16x10240xf32, #tpu.memory_space<vmem_shared>> -> memref<1x10240xf32, #tpu.memory_space<vmem_shared>>
      %dma_start3A_153 = tpu.memref_squeeze %dma_start3A_152 : memref<1x10240xf32, #tpu.memory_space<vmem_shared>> -> memref<10240xf32, #tpu.memory_space<vmem_shared>>
      %dma_start3A_154 = tpu.memref_slice %dma_start3A_153[%mul3A_34] : memref<10240xf32, #tpu.memory_space<vmem_shared>> -> memref<640xf32, #tpu.memory_space<vmem_shared>>
      tpu.enqueue_dma source(%dma_start3A_154 : memref<640xf32, #tpu.memory_space<vmem_shared>>) target(%arg7 : memref<640xf32, #tpu.memory_space<vmem>>) target_semaphore(%run_scoped3A_147 : memref<!tpu.dma_semaphore, #tpu.memory_space<semaphore_mem>>)
      %dma_wait3A = arith.constant 0 : i32
      %dma_wait3A_155 = tpu.memref_slice %arg8[%run_scoped3A_35, %dma_wait3A] : memref<16x10240xf32, #tpu.memory_space<vmem_shared>> -> memref<1x10240xf32, #tpu.memory_space<vmem_shared>>
      %dma_wait3A_156 = tpu.memref_squeeze %dma_wait3A_155 : memref<1x10240xf32, #tpu.memory_space<vmem_shared>> -> memref<10240xf32, #tpu.memory_space<vmem_shared>>
      %dma_wait3A_157 = tpu.memref_slice %dma_wait3A_156[%mul3A_34] : memref<10240xf32, #tpu.memory_space<vmem_shared>> -> memref<640xf32, #tpu.memory_space<vmem_shared>>
      %dma_wait3A_158 = arith.constant 0 : i32
      %dma_wait3A_159 = tpu.memref_slice %arg8[%run_scoped3A_35, %dma_wait3A_158] : memref<16x10240xf32, #tpu.memory_space<vmem_shared>> -> memref<1x10240xf32, #tpu.memory_space<vmem_shared>>
      %dma_wait3A_160 = tpu.memref_squeeze %dma_wait3A_159 : memref<1x10240xf32, #tpu.memory_space<vmem_shared>> -> memref<10240xf32, #tpu.memory_space<vmem_shared>>
      %dma_wait3A_161 = tpu.memref_slice %dma_wait3A_160[%mul3A_34] : memref<10240xf32, #tpu.memory_space<vmem_shared>> -> memref<640xf32, #tpu.memory_space<vmem_shared>>
      tpu.wait_dma2 semaphore(%run_scoped3A_147 : memref<!tpu.dma_semaphore, #tpu.memory_space<semaphore_mem>>) src(%dma_wait3A_161 : memref<640xf32, #tpu.memory_space<vmem_shared>>) dst(%arg7 : memref<640xf32, #tpu.memory_space<vmem>>)
      tpu.yield
    }) : () -> ()
    %scan3A_36 = arith.constant 0 : i32
    %scan3A_37 = arith.constant 40 : i32
    %scan3A_38 = arith.addi %scan3A_36, %scan3A_37 : i32
    %scan3A_39 = arith.constant 1 : i32
    scf.for %scan3A_147 = %scan3A_36 to %scan3A_38 step %scan3A_39  : i32 {
      %mul3A_148 = arith.constant 16 : i32
      %mul3A_149 = arith.muli %scan3A_147, %mul3A_148 : i32
      %add3A_150 = arith.constant 0 : i32
      %add3A_151 = arith.addi %add3A_150, %mul3A_149 : i32
      %get3A = arith.index_cast %add3A_151 : i32 to index
      %get3A_152 = tpu.vector_load %arg6[%get3A] {strides = array<i32>} : memref<640xf32, #tpu.memory_space<vmem>>, vector<16xf32>,
      %get3A_153 = arith.index_cast %add3A_151 : i32 to index
      %get3A_154 = tpu.vector_load %arg7[%get3A_153] {strides = array<i32>} : memref<640xf32, #tpu.memory_space<vmem>>, vector<16xf32>,
      %add3A_155 = arith.addf %get3A_152, %get3A_154 : vector<16xf32>
      %swap3A = arith.index_cast %add3A_151 : i32 to index
      %swap3A_156 = tpu.vector_load %arg6[%swap3A] {strides = array<i32>} : memref<640xf32, #tpu.memory_space<vmem>>, vector<16xf32>,
      tpu.vector_store %arg6[%swap3A], %add3A_155 {strides = array<i32>} : memref<640xf32, #tpu.memory_space<vmem>>, vector<16xf32>,
    }
    %scan3A_40 = arith.constant 40 : i32
    %mul3A_41 = arith.constant 640 : i32
    %mul3A_42 = arith.muli %arg1, %mul3A_41 : i32
    %run_scoped3A_43 = arith.constant 3 : i32
    "tpu.region"() ({
      %run_scoped3A_147 = tpu.sem_alloc : memref<!tpu.dma_semaphore, #tpu.memory_space<semaphore_mem>>
      %dma_start3A = arith.constant 0 : i32
      %dma_start3A_148 = tpu.memref_slice %arg8[%run_scoped3A_43, %dma_start3A] : memref<16x10240xf32, #tpu.memory_space<vmem_shared>> -> memref<1x10240xf32, #tpu.memory_space<vmem_shared>>
      %dma_start3A_149 = tpu.memref_squeeze %dma_start3A_148 : memref<1x10240xf32, #tpu.memory_space<vmem_shared>> -> memref<10240xf32, #tpu.memory_space<vmem_shared>>
      %dma_start3A_150 = tpu.memref_slice %dma_start3A_149[%mul3A_42] : memref<10240xf32, #tpu.memory_space<vmem_shared>> -> memref<640xf32, #tpu.memory_space<vmem_shared>>
      %dma_start3A_151 = arith.constant 0 : i32
      %dma_start3A_152 = tpu.memref_slice %arg8[%run_scoped3A_43, %dma_start3A_151] : memref<16x10240xf32, #tpu.memory_space<vmem_shared>> -> memref<1x10240xf32, #tpu.memory_space<vmem_shared>>
      %dma_start3A_153 = tpu.memref_squeeze %dma_start3A_152 : memref<1x10240xf32, #tpu.memory_space<vmem_shared>> -> memref<10240xf32, #tpu.memory_space<vmem_shared>>
      %dma_start3A_154 = tpu.memref_slice %dma_start3A_153[%mul3A_42] : memref<10240xf32, #tpu.memory_space<vmem_shared>> -> memref<640xf32, #tpu.memory_space<vmem_shared>>
      tpu.enqueue_dma source(%dma_start3A_154 : memref<640xf32, #tpu.memory_space<vmem_shared>>) target(%arg7 : memref<640xf32, #tpu.memory_space<vmem>>) target_semaphore(%run_scoped3A_147 : memref<!tpu.dma_semaphore, #tpu.memory_space<semaphore_mem>>)
      %dma_wait3A = arith.constant 0 : i32
      %dma_wait3A_155 = tpu.memref_slice %arg8[%run_scoped3A_43, %dma_wait3A] : memref<16x10240xf32, #tpu.memory_space<vmem_shared>> -> memref<1x10240xf32, #tpu.memory_space<vmem_shared>>
      %dma_wait3A_156 = tpu.memref_squeeze %dma_wait3A_155 : memref<1x10240xf32, #tpu.memory_space<vmem_shared>> -> memref<10240xf32, #tpu.memory_space<vmem_shared>>
      %dma_wait3A_157 = tpu.memref_slice %dma_wait3A_156[%mul3A_42] : memref<10240xf32, #tpu.memory_space<vmem_shared>> -> memref<640xf32, #tpu.memory_space<vmem_shared>>
      %dma_wait3A_158 = arith.constant 0 : i32
      %dma_wait3A_159 = tpu.memref_slice %arg8[%run_scoped3A_43, %dma_wait3A_158] : memref<16x10240xf32, #tpu.memory_space<vmem_shared>> -> memref<1x10240xf32, #tpu.memory_space<vmem_shared>>
      %dma_wait3A_160 = tpu.memref_squeeze %dma_wait3A_159 : memref<1x10240xf32, #tpu.memory_space<vmem_shared>> -> memref<10240xf32, #tpu.memory_space<vmem_shared>>
      %dma_wait3A_161 = tpu.memref_slice %dma_wait3A_160[%mul3A_42] : memref<10240xf32, #tpu.memory_space<vmem_shared>> -> memref<640xf32, #tpu.memory_space<vmem_shared>>
      tpu.wait_dma2 semaphore(%run_scoped3A_147 : memref<!tpu.dma_semaphore, #tpu.memory_space<semaphore_mem>>) src(%dma_wait3A_161 : memref<640xf32, #tpu.memory_space<vmem_shared>>) dst(%arg7 : memref<640xf32, #tpu.memory_space<vmem>>)
      tpu.yield
    }) : () -> ()
    %scan3A_44 = arith.constant 0 : i32
    %scan3A_45 = arith.constant 40 : i32
    %scan3A_46 = arith.addi %scan3A_44, %scan3A_45 : i32
    %scan3A_47 = arith.constant 1 : i32
    scf.for %scan3A_147 = %scan3A_44 to %scan3A_46 step %scan3A_47  : i32 {
      %mul3A_148 = arith.constant 16 : i32
      %mul3A_149 = arith.muli %scan3A_147, %mul3A_148 : i32
      %add3A_150 = arith.constant 0 : i32
      %add3A_151 = arith.addi %add3A_150, %mul3A_149 : i32
      %get3A = arith.index_cast %add3A_151 : i32 to index
      %get3A_152 = tpu.vector_load %arg6[%get3A] {strides = array<i32>} : memref<640xf32, #tpu.memory_space<vmem>>, vector<16xf32>,
      %get3A_153 = arith.index_cast %add3A_151 : i32 to index
      %get3A_154 = tpu.vector_load %arg7[%get3A_153] {strides = array<i32>} : memref<640xf32, #tpu.memory_space<vmem>>, vector<16xf32>,
      %add3A_155 = arith.addf %get3A_152, %get3A_154 : vector<16xf32>
      %swap3A = arith.index_cast %add3A_151 : i32 to index
      %swap3A_156 = tpu.vector_load %arg6[%swap3A] {strides = array<i32>} : memref<640xf32, #tpu.memory_space<vmem>>, vector<16xf32>,
      tpu.vector_store %arg6[%swap3A], %add3A_155 {strides = array<i32>} : memref<640xf32, #tpu.memory_space<vmem>>, vector<16xf32>,
    }
    %scan3A_48 = arith.constant 40 : i32
    %mul3A_49 = arith.constant 640 : i32
    %mul3A_50 = arith.muli %arg1, %mul3A_49 : i32
    %run_scoped3A_51 = arith.constant 4 : i32
    "tpu.region"() ({
      %run_scoped3A_147 = tpu.sem_alloc : memref<!tpu.dma_semaphore, #tpu.memory_space<semaphore_mem>>
      %dma_start3A = arith.constant 0 : i32
      %dma_start3A_148 = tpu.memref_slice %arg8[%run_scoped3A_51, %dma_start3A] : memref<16x10240xf32, #tpu.memory_space<vmem_shared>> -> memref<1x10240xf32, #tpu.memory_space<vmem_shared>>
      %dma_start3A_149 = tpu.memref_squeeze %dma_start3A_148 : memref<1x10240xf32, #tpu.memory_space<vmem_shared>> -> memref<10240xf32, #tpu.memory_space<vmem_shared>>
      %dma_start3A_150 = tpu.memref_slice %dma_start3A_149[%mul3A_50] : memref<10240xf32, #tpu.memory_space<vmem_shared>> -> memref<640xf32, #tpu.memory_space<vmem_shared>>
      %dma_start3A_151 = arith.constant 0 : i32
      %dma_start3A_152 = tpu.memref_slice %arg8[%run_scoped3A_51, %dma_start3A_151] : memref<16x10240xf32, #tpu.memory_space<vmem_shared>> -> memref<1x10240xf32, #tpu.memory_space<vmem_shared>>
      %dma_start3A_153 = tpu.memref_squeeze %dma_start3A_152 : memref<1x10240xf32, #tpu.memory_space<vmem_shared>> -> memref<10240xf32, #tpu.memory_space<vmem_shared>>
      %dma_start3A_154 = tpu.memref_slice %dma_start3A_153[%mul3A_50] : memref<10240xf32, #tpu.memory_space<vmem_shared>> -> memref<640xf32, #tpu.memory_space<vmem_shared>>
      tpu.enqueue_dma source(%dma_start3A_154 : memref<640xf32, #tpu.memory_space<vmem_shared>>) target(%arg7 : memref<640xf32, #tpu.memory_space<vmem>>) target_semaphore(%run_scoped3A_147 : memref<!tpu.dma_semaphore, #tpu.memory_space<semaphore_mem>>)
      %dma_wait3A = arith.constant 0 : i32
      %dma_wait3A_155 = tpu.memref_slice %arg8[%run_scoped3A_51, %dma_wait3A] : memref<16x10240xf32, #tpu.memory_space<vmem_shared>> -> memref<1x10240xf32, #tpu.memory_space<vmem_shared>>
      %dma_wait3A_156 = tpu.memref_squeeze %dma_wait3A_155 : memref<1x10240xf32, #tpu.memory_space<vmem_shared>> -> memref<10240xf32, #tpu.memory_space<vmem_shared>>
      %dma_wait3A_157 = tpu.memref_slice %dma_wait3A_156[%mul3A_50] : memref<10240xf32, #tpu.memory_space<vmem_shared>> -> memref<640xf32, #tpu.memory_space<vmem_shared>>
      %dma_wait3A_158 = arith.constant 0 : i32
      %dma_wait3A_159 = tpu.memref_slice %arg8[%run_scoped3A_51, %dma_wait3A_158] : memref<16x10240xf32, #tpu.memory_space<vmem_shared>> -> memref<1x10240xf32, #tpu.memory_space<vmem_shared>>
      %dma_wait3A_160 = tpu.memref_squeeze %dma_wait3A_159 : memref<1x10240xf32, #tpu.memory_space<vmem_shared>> -> memref<10240xf32, #tpu.memory_space<vmem_shared>>
      %dma_wait3A_161 = tpu.memref_slice %dma_wait3A_160[%mul3A_50] : memref<10240xf32, #tpu.memory_space<vmem_shared>> -> memref<640xf32, #tpu.memory_space<vmem_shared>>
      tpu.wait_dma2 semaphore(%run_scoped3A_147 : memref<!tpu.dma_semaphore, #tpu.memory_space<semaphore_mem>>) src(%dma_wait3A_161 : memref<640xf32, #tpu.memory_space<vmem_shared>>) dst(%arg7 : memref<640xf32, #tpu.memory_space<vmem>>)
      tpu.yield
    }) : () -> ()
    %scan3A_52 = arith.constant 0 : i32
    %scan3A_53 = arith.constant 40 : i32
    %scan3A_54 = arith.addi %scan3A_52, %scan3A_53 : i32
    %scan3A_55 = arith.constant 1 : i32
    scf.for %scan3A_147 = %scan3A_52 to %scan3A_54 step %scan3A_55  : i32 {
      %mul3A_148 = arith.constant 16 : i32
      %mul3A_149 = arith.muli %scan3A_147, %mul3A_148 : i32
      %add3A_150 = arith.constant 0 : i32
      %add3A_151 = arith.addi %add3A_150, %mul3A_149 : i32
      %get3A = arith.index_cast %add3A_151 : i32 to index
      %get3A_152 = tpu.vector_load %arg6[%get3A] {strides = array<i32>} : memref<640xf32, #tpu.memory_space<vmem>>, vector<16xf32>,
      %get3A_153 = arith.index_cast %add3A_151 : i32 to index
      %get3A_154 = tpu.vector_load %arg7[%get3A_153] {strides = array<i32>} : memref<640xf32, #tpu.memory_space<vmem>>, vector<16xf32>,
      %add3A_155 = arith.addf %get3A_152, %get3A_154 : vector<16xf32>
      %swap3A = arith.index_cast %add3A_151 : i32 to index
      %swap3A_156 = tpu.vector_load %arg6[%swap3A] {strides = array<i32>} : memref<640xf32, #tpu.memory_space<vmem>>, vector<16xf32>,
      tpu.vector_store %arg6[%swap3A], %add3A_155 {strides = array<i32>} : memref<640xf32, #tpu.memory_space<vmem>>, vector<16xf32>,
    }
    %scan3A_56 = arith.constant 40 : i32
    %mul3A_57 = arith.constant 640 : i32
    %mul3A_58 = arith.muli %arg1, %mul3A_57 : i32
    %run_scoped3A_59 = arith.constant 5 : i32
    "tpu.region"() ({
      %run_scoped3A_147 = tpu.sem_alloc : memref<!tpu.dma_semaphore, #tpu.memory_space<semaphore_mem>>
      %dma_start3A = arith.constant 0 : i32
      %dma_start3A_148 = tpu.memref_slice %arg8[%run_scoped3A_59, %dma_start3A] : memref<16x10240xf32, #tpu.memory_space<vmem_shared>> -> memref<1x10240xf32, #tpu.memory_space<vmem_shared>>
      %dma_start3A_149 = tpu.memref_squeeze %dma_start3A_148 : memref<1x10240xf32, #tpu.memory_space<vmem_shared>> -> memref<10240xf32, #tpu.memory_space<vmem_shared>>
      %dma_start3A_150 = tpu.memref_slice %dma_start3A_149[%mul3A_58] : memref<10240xf32, #tpu.memory_space<vmem_shared>> -> memref<640xf32, #tpu.memory_space<vmem_shared>>
      %dma_start3A_151 = arith.constant 0 : i32
      %dma_start3A_152 = tpu.memref_slice %arg8[%run_scoped3A_59, %dma_start3A_151] : memref<16x10240xf32, #tpu.memory_space<vmem_shared>> -> memref<1x10240xf32, #tpu.memory_space<vmem_shared>>
      %dma_start3A_153 = tpu.memref_squeeze %dma_start3A_152 : memref<1x10240xf32, #tpu.memory_space<vmem_shared>> -> memref<10240xf32, #tpu.memory_space<vmem_shared>>
      %dma_start3A_154 = tpu.memref_slice %dma_start3A_153[%mul3A_58] : memref<10240xf32, #tpu.memory_space<vmem_shared>> -> memref<640xf32, #tpu.memory_space<vmem_shared>>
      tpu.enqueue_dma source(%dma_start3A_154 : memref<640xf32, #tpu.memory_space<vmem_shared>>) target(%arg7 : memref<640xf32, #tpu.memory_space<vmem>>) target_semaphore(%run_scoped3A_147 : memref<!tpu.dma_semaphore, #tpu.memory_space<semaphore_mem>>)
      %dma_wait3A = arith.constant 0 : i32
      %dma_wait3A_155 = tpu.memref_slice %arg8[%run_scoped3A_59, %dma_wait3A] : memref<16x10240xf32, #tpu.memory_space<vmem_shared>> -> memref<1x10240xf32, #tpu.memory_space<vmem_shared>>
      %dma_wait3A_156 = tpu.memref_squeeze %dma_wait3A_155 : memref<1x10240xf32, #tpu.memory_space<vmem_shared>> -> memref<10240xf32, #tpu.memory_space<vmem_shared>>
      %dma_wait3A_157 = tpu.memref_slice %dma_wait3A_156[%mul3A_58] : memref<10240xf32, #tpu.memory_space<vmem_shared>> -> memref<640xf32, #tpu.memory_space<vmem_shared>>
      %dma_wait3A_158 = arith.constant 0 : i32
      %dma_wait3A_159 = tpu.memref_slice %arg8[%run_scoped3A_59, %dma_wait3A_158] : memref<16x10240xf32, #tpu.memory_space<vmem_shared>> -> memref<1x10240xf32, #tpu.memory_space<vmem_shared>>
      %dma_wait3A_160 = tpu.memref_squeeze %dma_wait3A_159 : memref<1x10240xf32, #tpu.memory_space<vmem_shared>> -> memref<10240xf32, #tpu.memory_space<vmem_shared>>
      %dma_wait3A_161 = tpu.memref_slice %dma_wait3A_160[%mul3A_58] : memref<10240xf32, #tpu.memory_space<vmem_shared>> -> memref<640xf32, #tpu.memory_space<vmem_shared>>
      tpu.wait_dma2 semaphore(%run_scoped3A_147 : memref<!tpu.dma_semaphore, #tpu.memory_space<semaphore_mem>>) src(%dma_wait3A_161 : memref<640xf32, #tpu.memory_space<vmem_shared>>) dst(%arg7 : memref<640xf32, #tpu.memory_space<vmem>>)
      tpu.yield
    }) : () -> ()
    %scan3A_60 = arith.constant 0 : i32
    %scan3A_61 = arith.constant 40 : i32
    %scan3A_62 = arith.addi %scan3A_60, %scan3A_61 : i32
    %scan3A_63 = arith.constant 1 : i32
    scf.for %scan3A_147 = %scan3A_60 to %scan3A_62 step %scan3A_63  : i32 {
      %mul3A_148 = arith.constant 16 : i32
      %mul3A_149 = arith.muli %scan3A_147, %mul3A_148 : i32
      %add3A_150 = arith.constant 0 : i32
      %add3A_151 = arith.addi %add3A_150, %mul3A_149 : i32
      %get3A = arith.index_cast %add3A_151 : i32 to index
      %get3A_152 = tpu.vector_load %arg6[%get3A] {strides = array<i32>} : memref<640xf32, #tpu.memory_space<vmem>>, vector<16xf32>,
      %get3A_153 = arith.index_cast %add3A_151 : i32 to index
      %get3A_154 = tpu.vector_load %arg7[%get3A_153] {strides = array<i32>} : memref<640xf32, #tpu.memory_space<vmem>>, vector<16xf32>,
      %add3A_155 = arith.addf %get3A_152, %get3A_154 : vector<16xf32>
      %swap3A = arith.index_cast %add3A_151 : i32 to index
      %swap3A_156 = tpu.vector_load %arg6[%swap3A] {strides = array<i32>} : memref<640xf32, #tpu.memory_space<vmem>>, vector<16xf32>,
      tpu.vector_store %arg6[%swap3A], %add3A_155 {strides = array<i32>} : memref<640xf32, #tpu.memory_space<vmem>>, vector<16xf32>,
    }
    %scan3A_64 = arith.constant 40 : i32
    %mul3A_65 = arith.constant 640 : i32
    %mul3A_66 = arith.muli %arg1, %mul3A_65 : i32
    %run_scoped3A_67 = arith.constant 6 : i32
    "tpu.region"() ({
      %run_scoped3A_147 = tpu.sem_alloc : memref<!tpu.dma_semaphore, #tpu.memory_space<semaphore_mem>>
      %dma_start3A = arith.constant 0 : i32
      %dma_start3A_148 = tpu.memref_slice %arg8[%run_scoped3A_67, %dma_start3A] : memref<16x10240xf32, #tpu.memory_space<vmem_shared>> -> memref<1x10240xf32, #tpu.memory_space<vmem_shared>>
      %dma_start3A_149 = tpu.memref_squeeze %dma_start3A_148 : memref<1x10240xf32, #tpu.memory_space<vmem_shared>> -> memref<10240xf32, #tpu.memory_space<vmem_shared>>
      %dma_start3A_150 = tpu.memref_slice %dma_start3A_149[%mul3A_66] : memref<10240xf32, #tpu.memory_space<vmem_shared>> -> memref<640xf32, #tpu.memory_space<vmem_shared>>
      %dma_start3A_151 = arith.constant 0 : i32
      %dma_start3A_152 = tpu.memref_slice %arg8[%run_scoped3A_67, %dma_start3A_151] : memref<16x10240xf32, #tpu.memory_space<vmem_shared>> -> memref<1x10240xf32, #tpu.memory_space<vmem_shared>>
      %dma_start3A_153 = tpu.memref_squeeze %dma_start3A_152 : memref<1x10240xf32, #tpu.memory_space<vmem_shared>> -> memref<10240xf32, #tpu.memory_space<vmem_shared>>
      %dma_start3A_154 = tpu.memref_slice %dma_start3A_153[%mul3A_66] : memref<10240xf32, #tpu.memory_space<vmem_shared>> -> memref<640xf32, #tpu.memory_space<vmem_shared>>
      tpu.enqueue_dma source(%dma_start3A_154 : memref<640xf32, #tpu.memory_space<vmem_shared>>) target(%arg7 : memref<640xf32, #tpu.memory_space<vmem>>) target_semaphore(%run_scoped3A_147 : memref<!tpu.dma_semaphore, #tpu.memory_space<semaphore_mem>>)
      %dma_wait3A = arith.constant 0 : i32
      %dma_wait3A_155 = tpu.memref_slice %arg8[%run_scoped3A_67, %dma_wait3A] : memref<16x10240xf32, #tpu.memory_space<vmem_shared>> -> memref<1x10240xf32, #tpu.memory_space<vmem_shared>>
      %dma_wait3A_156 = tpu.memref_squeeze %dma_wait3A_155 : memref<1x10240xf32, #tpu.memory_space<vmem_shared>> -> memref<10240xf32, #tpu.memory_space<vmem_shared>>
      %dma_wait3A_157 = tpu.memref_slice %dma_wait3A_156[%mul3A_66] : memref<10240xf32, #tpu.memory_space<vmem_shared>> -> memref<640xf32, #tpu.memory_space<vmem_shared>>
      %dma_wait3A_158 = arith.constant 0 : i32
      %dma_wait3A_159 = tpu.memref_slice %arg8[%run_scoped3A_67, %dma_wait3A_158] : memref<16x10240xf32, #tpu.memory_space<vmem_shared>> -> memref<1x10240xf32, #tpu.memory_space<vmem_shared>>
      %dma_wait3A_160 = tpu.memref_squeeze %dma_wait3A_159 : memref<1x10240xf32, #tpu.memory_space<vmem_shared>> -> memref<10240xf32, #tpu.memory_space<vmem_shared>>
      %dma_wait3A_161 = tpu.memref_slice %dma_wait3A_160[%mul3A_66] : memref<10240xf32, #tpu.memory_space<vmem_shared>> -> memref<640xf32, #tpu.memory_space<vmem_shared>>
      tpu.wait_dma2 semaphore(%run_scoped3A_147 : memref<!tpu.dma_semaphore, #tpu.memory_space<semaphore_mem>>) src(%dma_wait3A_161 : memref<640xf32, #tpu.memory_space<vmem_shared>>) dst(%arg7 : memref<640xf32, #tpu.memory_space<vmem>>)
      tpu.yield
    }) : () -> ()
    %scan3A_68 = arith.constant 0 : i32
    %scan3A_69 = arith.constant 40 : i32
    %scan3A_70 = arith.addi %scan3A_68, %scan3A_69 : i32
    %scan3A_71 = arith.constant 1 : i32
    scf.for %scan3A_147 = %scan3A_68 to %scan3A_70 step %scan3A_71  : i32 {
      %mul3A_148 = arith.constant 16 : i32
      %mul3A_149 = arith.muli %scan3A_147, %mul3A_148 : i32
      %add3A_150 = arith.constant 0 : i32
      %add3A_151 = arith.addi %add3A_150, %mul3A_149 : i32
      %get3A = arith.index_cast %add3A_151 : i32 to index
      %get3A_152 = tpu.vector_load %arg6[%get3A] {strides = array<i32>} : memref<640xf32, #tpu.memory_space<vmem>>, vector<16xf32>,
      %get3A_153 = arith.index_cast %add3A_151 : i32 to index
      %get3A_154 = tpu.vector_load %arg7[%get3A_153] {strides = array<i32>} : memref<640xf32, #tpu.memory_space<vmem>>, vector<16xf32>,
      %add3A_155 = arith.addf %get3A_152, %get3A_154 : vector<16xf32>
      %swap3A = arith.index_cast %add3A_151 : i32 to index
      %swap3A_156 = tpu.vector_load %arg6[%swap3A] {strides = array<i32>} : memref<640xf32, #tpu.memory_space<vmem>>, vector<16xf32>,
      tpu.vector_store %arg6[%swap3A], %add3A_155 {strides = array<i32>} : memref<640xf32, #tpu.memory_space<vmem>>, vector<16xf32>,
    }
    %scan3A_72 = arith.constant 40 : i32
    %mul3A_73 = arith.constant 640 : i32
    %mul3A_74 = arith.muli %arg1, %mul3A_73 : i32
    %run_scoped3A_75 = arith.constant 7 : i32
    "tpu.region"() ({
      %run_scoped3A_147 = tpu.sem_alloc : memref<!tpu.dma_semaphore, #tpu.memory_space<semaphore_mem>>
      %dma_start3A = arith.constant 0 : i32
      %dma_start3A_148 = tpu.memref_slice %arg8[%run_scoped3A_75, %dma_start3A] : memref<16x10240xf32, #tpu.memory_space<vmem_shared>> -> memref<1x10240xf32, #tpu.memory_space<vmem_shared>>
      %dma_start3A_149 = tpu.memref_squeeze %dma_start3A_148 : memref<1x10240xf32, #tpu.memory_space<vmem_shared>> -> memref<10240xf32, #tpu.memory_space<vmem_shared>>
      %dma_start3A_150 = tpu.memref_slice %dma_start3A_149[%mul3A_74] : memref<10240xf32, #tpu.memory_space<vmem_shared>> -> memref<640xf32, #tpu.memory_space<vmem_shared>>
      %dma_start3A_151 = arith.constant 0 : i32
      %dma_start3A_152 = tpu.memref_slice %arg8[%run_scoped3A_75, %dma_start3A_151] : memref<16x10240xf32, #tpu.memory_space<vmem_shared>> -> memref<1x10240xf32, #tpu.memory_space<vmem_shared>>
      %dma_start3A_153 = tpu.memref_squeeze %dma_start3A_152 : memref<1x10240xf32, #tpu.memory_space<vmem_shared>> -> memref<10240xf32, #tpu.memory_space<vmem_shared>>
      %dma_start3A_154 = tpu.memref_slice %dma_start3A_153[%mul3A_74] : memref<10240xf32, #tpu.memory_space<vmem_shared>> -> memref<640xf32, #tpu.memory_space<vmem_shared>>
      tpu.enqueue_dma source(%dma_start3A_154 : memref<640xf32, #tpu.memory_space<vmem_shared>>) target(%arg7 : memref<640xf32, #tpu.memory_space<vmem>>) target_semaphore(%run_scoped3A_147 : memref<!tpu.dma_semaphore, #tpu.memory_space<semaphore_mem>>)
      %dma_wait3A = arith.constant 0 : i32
      %dma_wait3A_155 = tpu.memref_slice %arg8[%run_scoped3A_75, %dma_wait3A] : memref<16x10240xf32, #tpu.memory_space<vmem_shared>> -> memref<1x10240xf32, #tpu.memory_space<vmem_shared>>
      %dma_wait3A_156 = tpu.memref_squeeze %dma_wait3A_155 : memref<1x10240xf32, #tpu.memory_space<vmem_shared>> -> memref<10240xf32, #tpu.memory_space<vmem_shared>>
      %dma_wait3A_157 = tpu.memref_slice %dma_wait3A_156[%mul3A_74] : memref<10240xf32, #tpu.memory_space<vmem_shared>> -> memref<640xf32, #tpu.memory_space<vmem_shared>>
      %dma_wait3A_158 = arith.constant 0 : i32
      %dma_wait3A_159 = tpu.memref_slice %arg8[%run_scoped3A_75, %dma_wait3A_158] : memref<16x10240xf32, #tpu.memory_space<vmem_shared>> -> memref<1x10240xf32, #tpu.memory_space<vmem_shared>>
      %dma_wait3A_160 = tpu.memref_squeeze %dma_wait3A_159 : memref<1x10240xf32, #tpu.memory_space<vmem_shared>> -> memref<10240xf32, #tpu.memory_space<vmem_shared>>
      %dma_wait3A_161 = tpu.memref_slice %dma_wait3A_160[%mul3A_74] : memref<10240xf32, #tpu.memory_space<vmem_shared>> -> memref<640xf32, #tpu.memory_space<vmem_shared>>
      tpu.wait_dma2 semaphore(%run_scoped3A_147 : memref<!tpu.dma_semaphore, #tpu.memory_space<semaphore_mem>>) src(%dma_wait3A_161 : memref<640xf32, #tpu.memory_space<vmem_shared>>) dst(%arg7 : memref<640xf32, #tpu.memory_space<vmem>>)
      tpu.yield
    }) : () -> ()
    %scan3A_76 = arith.constant 0 : i32
    %scan3A_77 = arith.constant 40 : i32
    %scan3A_78 = arith.addi %scan3A_76, %scan3A_77 : i32
    %scan3A_79 = arith.constant 1 : i32
    scf.for %scan3A_147 = %scan3A_76 to %scan3A_78 step %scan3A_79  : i32 {
      %mul3A_148 = arith.constant 16 : i32
      %mul3A_149 = arith.muli %scan3A_147, %mul3A_148 : i32
      %add3A_150 = arith.constant 0 : i32
      %add3A_151 = arith.addi %add3A_150, %mul3A_149 : i32
      %get3A = arith.index_cast %add3A_151 : i32 to index
      %get3A_152 = tpu.vector_load %arg6[%get3A] {strides = array<i32>} : memref<640xf32, #tpu.memory_space<vmem>>, vector<16xf32>,
      %get3A_153 = arith.index_cast %add3A_151 : i32 to index
      %get3A_154 = tpu.vector_load %arg7[%get3A_153] {strides = array<i32>} : memref<640xf32, #tpu.memory_space<vmem>>, vector<16xf32>,
      %add3A_155 = arith.addf %get3A_152, %get3A_154 : vector<16xf32>
      %swap3A = arith.index_cast %add3A_151 : i32 to index
      %swap3A_156 = tpu.vector_load %arg6[%swap3A] {strides = array<i32>} : memref<640xf32, #tpu.memory_space<vmem>>, vector<16xf32>,
      tpu.vector_store %arg6[%swap3A], %add3A_155 {strides = array<i32>} : memref<640xf32, #tpu.memory_space<vmem>>, vector<16xf32>,
    }
    %scan3A_80 = arith.constant 40 : i32
    %mul3A_81 = arith.constant 640 : i32
    %mul3A_82 = arith.muli %arg1, %mul3A_81 : i32
    %run_scoped3A_83 = arith.constant 8 : i32
    "tpu.region"() ({
      %run_scoped3A_147 = tpu.sem_alloc : memref<!tpu.dma_semaphore, #tpu.memory_space<semaphore_mem>>
      %dma_start3A = arith.constant 0 : i32
      %dma_start3A_148 = tpu.memref_slice %arg8[%run_scoped3A_83, %dma_start3A] : memref<16x10240xf32, #tpu.memory_space<vmem_shared>> -> memref<1x10240xf32, #tpu.memory_space<vmem_shared>>
      %dma_start3A_149 = tpu.memref_squeeze %dma_start3A_148 : memref<1x10240xf32, #tpu.memory_space<vmem_shared>> -> memref<10240xf32, #tpu.memory_space<vmem_shared>>
      %dma_start3A_150 = tpu.memref_slice %dma_start3A_149[%mul3A_82] : memref<10240xf32, #tpu.memory_space<vmem_shared>> -> memref<640xf32, #tpu.memory_space<vmem_shared>>
      %dma_start3A_151 = arith.constant 0 : i32
      %dma_start3A_152 = tpu.memref_slice %arg8[%run_scoped3A_83, %dma_start3A_151] : memref<16x10240xf32, #tpu.memory_space<vmem_shared>> -> memref<1x10240xf32, #tpu.memory_space<vmem_shared>>
      %dma_start3A_153 = tpu.memref_squeeze %dma_start3A_152 : memref<1x10240xf32, #tpu.memory_space<vmem_shared>> -> memref<10240xf32, #tpu.memory_space<vmem_shared>>
      %dma_start3A_154 = tpu.memref_slice %dma_start3A_153[%mul3A_82] : memref<10240xf32, #tpu.memory_space<vmem_shared>> -> memref<640xf32, #tpu.memory_space<vmem_shared>>
      tpu.enqueue_dma source(%dma_start3A_154 : memref<640xf32, #tpu.memory_space<vmem_shared>>) target(%arg7 : memref<640xf32, #tpu.memory_space<vmem>>) target_semaphore(%run_scoped3A_147 : memref<!tpu.dma_semaphore, #tpu.memory_space<semaphore_mem>>)
      %dma_wait3A = arith.constant 0 : i32
      %dma_wait3A_155 = tpu.memref_slice %arg8[%run_scoped3A_83, %dma_wait3A] : memref<16x10240xf32, #tpu.memory_space<vmem_shared>> -> memref<1x10240xf32, #tpu.memory_space<vmem_shared>>
      %dma_wait3A_156 = tpu.memref_squeeze %dma_wait3A_155 : memref<1x10240xf32, #tpu.memory_space<vmem_shared>> -> memref<10240xf32, #tpu.memory_space<vmem_shared>>
      %dma_wait3A_157 = tpu.memref_slice %dma_wait3A_156[%mul3A_82] : memref<10240xf32, #tpu.memory_space<vmem_shared>> -> memref<640xf32, #tpu.memory_space<vmem_shared>>
      %dma_wait3A_158 = arith.constant 0 : i32
      %dma_wait3A_159 = tpu.memref_slice %arg8[%run_scoped3A_83, %dma_wait3A_158] : memref<16x10240xf32, #tpu.memory_space<vmem_shared>> -> memref<1x10240xf32, #tpu.memory_space<vmem_shared>>
      %dma_wait3A_160 = tpu.memref_squeeze %dma_wait3A_159 : memref<1x10240xf32, #tpu.memory_space<vmem_shared>> -> memref<10240xf32, #tpu.memory_space<vmem_shared>>
      %dma_wait3A_161 = tpu.memref_slice %dma_wait3A_160[%mul3A_82] : memref<10240xf32, #tpu.memory_space<vmem_shared>> -> memref<640xf32, #tpu.memory_space<vmem_shared>>
      tpu.wait_dma2 semaphore(%run_scoped3A_147 : memref<!tpu.dma_semaphore, #tpu.memory_space<semaphore_mem>>) src(%dma_wait3A_161 : memref<640xf32, #tpu.memory_space<vmem_shared>>) dst(%arg7 : memref<640xf32, #tpu.memory_space<vmem>>)
      tpu.yield
    }) : () -> ()
    %scan3A_84 = arith.constant 0 : i32
    %scan3A_85 = arith.constant 40 : i32
    %scan3A_86 = arith.addi %scan3A_84, %scan3A_85 : i32
    %scan3A_87 = arith.constant 1 : i32
    scf.for %scan3A_147 = %scan3A_84 to %scan3A_86 step %scan3A_87  : i32 {
      %mul3A_148 = arith.constant 16 : i32
      %mul3A_149 = arith.muli %scan3A_147, %mul3A_148 : i32
      %add3A_150 = arith.constant 0 : i32
      %add3A_151 = arith.addi %add3A_150, %mul3A_149 : i32
      %get3A = arith.index_cast %add3A_151 : i32 to index
      %get3A_152 = tpu.vector_load %arg6[%get3A] {strides = array<i32>} : memref<640xf32, #tpu.memory_space<vmem>>, vector<16xf32>,
      %get3A_153 = arith.index_cast %add3A_151 : i32 to index
      %get3A_154 = tpu.vector_load %arg7[%get3A_153] {strides = array<i32>} : memref<640xf32, #tpu.memory_space<vmem>>, vector<16xf32>,
      %add3A_155 = arith.addf %get3A_152, %get3A_154 : vector<16xf32>
      %swap3A = arith.index_cast %add3A_151 : i32 to index
      %swap3A_156 = tpu.vector_load %arg6[%swap3A] {strides = array<i32>} : memref<640xf32, #tpu.memory_space<vmem>>, vector<16xf32>,
      tpu.vector_store %arg6[%swap3A], %add3A_155 {strides = array<i32>} : memref<640xf32, #tpu.memory_space<vmem>>, vector<16xf32>,
    }
    %scan3A_88 = arith.constant 40 : i32
    %mul3A_89 = arith.constant 640 : i32
    %mul3A_90 = arith.muli %arg1, %mul3A_89 : i32
    %run_scoped3A_91 = arith.constant 9 : i32
    "tpu.region"() ({
      %run_scoped3A_147 = tpu.sem_alloc : memref<!tpu.dma_semaphore, #tpu.memory_space<semaphore_mem>>
      %dma_start3A = arith.constant 0 : i32
      %dma_start3A_148 = tpu.memref_slice %arg8[%run_scoped3A_91, %dma_start3A] : memref<16x10240xf32, #tpu.memory_space<vmem_shared>> -> memref<1x10240xf32, #tpu.memory_space<vmem_shared>>
      %dma_start3A_149 = tpu.memref_squeeze %dma_start3A_148 : memref<1x10240xf32, #tpu.memory_space<vmem_shared>> -> memref<10240xf32, #tpu.memory_space<vmem_shared>>
      %dma_start3A_150 = tpu.memref_slice %dma_start3A_149[%mul3A_90] : memref<10240xf32, #tpu.memory_space<vmem_shared>> -> memref<640xf32, #tpu.memory_space<vmem_shared>>
      %dma_start3A_151 = arith.constant 0 : i32
      %dma_start3A_152 = tpu.memref_slice %arg8[%run_scoped3A_91, %dma_start3A_151] : memref<16x10240xf32, #tpu.memory_space<vmem_shared>> -> memref<1x10240xf32, #tpu.memory_space<vmem_shared>>
      %dma_start3A_153 = tpu.memref_squeeze %dma_start3A_152 : memref<1x10240xf32, #tpu.memory_space<vmem_shared>> -> memref<10240xf32, #tpu.memory_space<vmem_shared>>
      %dma_start3A_154 = tpu.memref_slice %dma_start3A_153[%mul3A_90] : memref<10240xf32, #tpu.memory_space<vmem_shared>> -> memref<640xf32, #tpu.memory_space<vmem_shared>>
      tpu.enqueue_dma source(%dma_start3A_154 : memref<640xf32, #tpu.memory_space<vmem_shared>>) target(%arg7 : memref<640xf32, #tpu.memory_space<vmem>>) target_semaphore(%run_scoped3A_147 : memref<!tpu.dma_semaphore, #tpu.memory_space<semaphore_mem>>)
      %dma_wait3A = arith.constant 0 : i32
      %dma_wait3A_155 = tpu.memref_slice %arg8[%run_scoped3A_91, %dma_wait3A] : memref<16x10240xf32, #tpu.memory_space<vmem_shared>> -> memref<1x10240xf32, #tpu.memory_space<vmem_shared>>
      %dma_wait3A_156 = tpu.memref_squeeze %dma_wait3A_155 : memref<1x10240xf32, #tpu.memory_space<vmem_shared>> -> memref<10240xf32, #tpu.memory_space<vmem_shared>>
      %dma_wait3A_157 = tpu.memref_slice %dma_wait3A_156[%mul3A_90] : memref<10240xf32, #tpu.memory_space<vmem_shared>> -> memref<640xf32, #tpu.memory_space<vmem_shared>>
      %dma_wait3A_158 = arith.constant 0 : i32
      %dma_wait3A_159 = tpu.memref_slice %arg8[%run_scoped3A_91, %dma_wait3A_158] : memref<16x10240xf32, #tpu.memory_space<vmem_shared>> -> memref<1x10240xf32, #tpu.memory_space<vmem_shared>>
      %dma_wait3A_160 = tpu.memref_squeeze %dma_wait3A_159 : memref<1x10240xf32, #tpu.memory_space<vmem_shared>> -> memref<10240xf32, #tpu.memory_space<vmem_shared>>
      %dma_wait3A_161 = tpu.memref_slice %dma_wait3A_160[%mul3A_90] : memref<10240xf32, #tpu.memory_space<vmem_shared>> -> memref<640xf32, #tpu.memory_space<vmem_shared>>
      tpu.wait_dma2 semaphore(%run_scoped3A_147 : memref<!tpu.dma_semaphore, #tpu.memory_space<semaphore_mem>>) src(%dma_wait3A_161 : memref<640xf32, #tpu.memory_space<vmem_shared>>) dst(%arg7 : memref<640xf32, #tpu.memory_space<vmem>>)
      tpu.yield
    }) : () -> ()
    %scan3A_92 = arith.constant 0 : i32
    %scan3A_93 = arith.constant 40 : i32
    %scan3A_94 = arith.addi %scan3A_92, %scan3A_93 : i32
    %scan3A_95 = arith.constant 1 : i32
    scf.for %scan3A_147 = %scan3A_92 to %scan3A_94 step %scan3A_95  : i32 {
      %mul3A_148 = arith.constant 16 : i32
      %mul3A_149 = arith.muli %scan3A_147, %mul3A_148 : i32
      %add3A_150 = arith.constant 0 : i32
      %add3A_151 = arith.addi %add3A_150, %mul3A_149 : i32
      %get3A = arith.index_cast %add3A_151 : i32 to index
      %get3A_152 = tpu.vector_load %arg6[%get3A] {strides = array<i32>} : memref<640xf32, #tpu.memory_space<vmem>>, vector<16xf32>,
      %get3A_153 = arith.index_cast %add3A_151 : i32 to index
      %get3A_154 = tpu.vector_load %arg7[%get3A_153] {strides = array<i32>} : memref<640xf32, #tpu.memory_space<vmem>>, vector<16xf32>,
      %add3A_155 = arith.addf %get3A_152, %get3A_154 : vector<16xf32>
      %swap3A = arith.index_cast %add3A_151 : i32 to index
      %swap3A_156 = tpu.vector_load %arg6[%swap3A] {strides = array<i32>} : memref<640xf32, #tpu.memory_space<vmem>>, vector<16xf32>,
      tpu.vector_store %arg6[%swap3A], %add3A_155 {strides = array<i32>} : memref<640xf32, #tpu.memory_space<vmem>>, vector<16xf32>,
    }
    %scan3A_96 = arith.constant 40 : i32
    %mul3A_97 = arith.constant 640 : i32
    %mul3A_98 = arith.muli %arg1, %mul3A_97 : i32
    %run_scoped3A_99 = arith.constant 10 : i32
    "tpu.region"() ({
      %run_scoped3A_147 = tpu.sem_alloc : memref<!tpu.dma_semaphore, #tpu.memory_space<semaphore_mem>>
      %dma_start3A = arith.constant 0 : i32
      %dma_start3A_148 = tpu.memref_slice %arg8[%run_scoped3A_99, %dma_start3A] : memref<16x10240xf32, #tpu.memory_space<vmem_shared>> -> memref<1x10240xf32, #tpu.memory_space<vmem_shared>>
      %dma_start3A_149 = tpu.memref_squeeze %dma_start3A_148 : memref<1x10240xf32, #tpu.memory_space<vmem_shared>> -> memref<10240xf32, #tpu.memory_space<vmem_shared>>
      %dma_start3A_150 = tpu.memref_slice %dma_start3A_149[%mul3A_98] : memref<10240xf32, #tpu.memory_space<vmem_shared>> -> memref<640xf32, #tpu.memory_space<vmem_shared>>
      %dma_start3A_151 = arith.constant 0 : i32
      %dma_start3A_152 = tpu.memref_slice %arg8[%run_scoped3A_99, %dma_start3A_151] : memref<16x10240xf32, #tpu.memory_space<vmem_shared>> -> memref<1x10240xf32, #tpu.memory_space<vmem_shared>>
      %dma_start3A_153 = tpu.memref_squeeze %dma_start3A_152 : memref<1x10240xf32, #tpu.memory_space<vmem_shared>> -> memref<10240xf32, #tpu.memory_space<vmem_shared>>
      %dma_start3A_154 = tpu.memref_slice %dma_start3A_153[%mul3A_98] : memref<10240xf32, #tpu.memory_space<vmem_shared>> -> memref<640xf32, #tpu.memory_space<vmem_shared>>
      tpu.enqueue_dma source(%dma_start3A_154 : memref<640xf32, #tpu.memory_space<vmem_shared>>) target(%arg7 : memref<640xf32, #tpu.memory_space<vmem>>) target_semaphore(%run_scoped3A_147 : memref<!tpu.dma_semaphore, #tpu.memory_space<semaphore_mem>>)
      %dma_wait3A = arith.constant 0 : i32
      %dma_wait3A_155 = tpu.memref_slice %arg8[%run_scoped3A_99, %dma_wait3A] : memref<16x10240xf32, #tpu.memory_space<vmem_shared>> -> memref<1x10240xf32, #tpu.memory_space<vmem_shared>>
      %dma_wait3A_156 = tpu.memref_squeeze %dma_wait3A_155 : memref<1x10240xf32, #tpu.memory_space<vmem_shared>> -> memref<10240xf32, #tpu.memory_space<vmem_shared>>
      %dma_wait3A_157 = tpu.memref_slice %dma_wait3A_156[%mul3A_98] : memref<10240xf32, #tpu.memory_space<vmem_shared>> -> memref<640xf32, #tpu.memory_space<vmem_shared>>
      %dma_wait3A_158 = arith.constant 0 : i32
      %dma_wait3A_159 = tpu.memref_slice %arg8[%run_scoped3A_99, %dma_wait3A_158] : memref<16x10240xf32, #tpu.memory_space<vmem_shared>> -> memref<1x10240xf32, #tpu.memory_space<vmem_shared>>
      %dma_wait3A_160 = tpu.memref_squeeze %dma_wait3A_159 : memref<1x10240xf32, #tpu.memory_space<vmem_shared>> -> memref<10240xf32, #tpu.memory_space<vmem_shared>>
      %dma_wait3A_161 = tpu.memref_slice %dma_wait3A_160[%mul3A_98] : memref<10240xf32, #tpu.memory_space<vmem_shared>> -> memref<640xf32, #tpu.memory_space<vmem_shared>>
      tpu.wait_dma2 semaphore(%run_scoped3A_147 : memref<!tpu.dma_semaphore, #tpu.memory_space<semaphore_mem>>) src(%dma_wait3A_161 : memref<640xf32, #tpu.memory_space<vmem_shared>>) dst(%arg7 : memref<640xf32, #tpu.memory_space<vmem>>)
      tpu.yield
    }) : () -> ()
    %scan3A_100 = arith.constant 0 : i32
    %scan3A_101 = arith.constant 40 : i32
    %scan3A_102 = arith.addi %scan3A_100, %scan3A_101 : i32
    %scan3A_103 = arith.constant 1 : i32
    scf.for %scan3A_147 = %scan3A_100 to %scan3A_102 step %scan3A_103  : i32 {
      %mul3A_148 = arith.constant 16 : i32
      %mul3A_149 = arith.muli %scan3A_147, %mul3A_148 : i32
      %add3A_150 = arith.constant 0 : i32
      %add3A_151 = arith.addi %add3A_150, %mul3A_149 : i32
      %get3A = arith.index_cast %add3A_151 : i32 to index
      %get3A_152 = tpu.vector_load %arg6[%get3A] {strides = array<i32>} : memref<640xf32, #tpu.memory_space<vmem>>, vector<16xf32>,
      %get3A_153 = arith.index_cast %add3A_151 : i32 to index
      %get3A_154 = tpu.vector_load %arg7[%get3A_153] {strides = array<i32>} : memref<640xf32, #tpu.memory_space<vmem>>, vector<16xf32>,
      %add3A_155 = arith.addf %get3A_152, %get3A_154 : vector<16xf32>
      %swap3A = arith.index_cast %add3A_151 : i32 to index
      %swap3A_156 = tpu.vector_load %arg6[%swap3A] {strides = array<i32>} : memref<640xf32, #tpu.memory_space<vmem>>, vector<16xf32>,
      tpu.vector_store %arg6[%swap3A], %add3A_155 {strides = array<i32>} : memref<640xf32, #tpu.memory_space<vmem>>, vector<16xf32>,
    }
    %scan3A_104 = arith.constant 40 : i32
    %mul3A_105 = arith.constant 640 : i32
    %mul3A_106 = arith.muli %arg1, %mul3A_105 : i32
    %run_scoped3A_107 = arith.constant 11 : i32
    "tpu.region"() ({
      %run_scoped3A_147 = tpu.sem_alloc : memref<!tpu.dma_semaphore, #tpu.memory_space<semaphore_mem>>
      %dma_start3A = arith.constant 0 : i32
      %dma_start3A_148 = tpu.memref_slice %arg8[%run_scoped3A_107, %dma_start3A] : memref<16x10240xf32, #tpu.memory_space<vmem_shared>> -> memref<1x10240xf32, #tpu.memory_space<vmem_shared>>
      %dma_start3A_149 = tpu.memref_squeeze %dma_start3A_148 : memref<1x10240xf32, #tpu.memory_space<vmem_shared>> -> memref<10240xf32, #tpu.memory_space<vmem_shared>>
      %dma_start3A_150 = tpu.memref_slice %dma_start3A_149[%mul3A_106] : memref<10240xf32, #tpu.memory_space<vmem_shared>> -> memref<640xf32, #tpu.memory_space<vmem_shared>>
      %dma_start3A_151 = arith.constant 0 : i32
      %dma_start3A_152 = tpu.memref_slice %arg8[%run_scoped3A_107, %dma_start3A_151] : memref<16x10240xf32, #tpu.memory_space<vmem_shared>> -> memref<1x10240xf32, #tpu.memory_space<vmem_shared>>
      %dma_start3A_153 = tpu.memref_squeeze %dma_start3A_152 : memref<1x10240xf32, #tpu.memory_space<vmem_shared>> -> memref<10240xf32, #tpu.memory_space<vmem_shared>>
      %dma_start3A_154 = tpu.memref_slice %dma_start3A_153[%mul3A_106] : memref<10240xf32, #tpu.memory_space<vmem_shared>> -> memref<640xf32, #tpu.memory_space<vmem_shared>>
      tpu.enqueue_dma source(%dma_start3A_154 : memref<640xf32, #tpu.memory_space<vmem_shared>>) target(%arg7 : memref<640xf32, #tpu.memory_space<vmem>>) target_semaphore(%run_scoped3A_147 : memref<!tpu.dma_semaphore, #tpu.memory_space<semaphore_mem>>)
      %dma_wait3A = arith.constant 0 : i32
      %dma_wait3A_155 = tpu.memref_slice %arg8[%run_scoped3A_107, %dma_wait3A] : memref<16x10240xf32, #tpu.memory_space<vmem_shared>> -> memref<1x10240xf32, #tpu.memory_space<vmem_shared>>
      %dma_wait3A_156 = tpu.memref_squeeze %dma_wait3A_155 : memref<1x10240xf32, #tpu.memory_space<vmem_shared>> -> memref<10240xf32, #tpu.memory_space<vmem_shared>>
      %dma_wait3A_157 = tpu.memref_slice %dma_wait3A_156[%mul3A_106] : memref<10240xf32, #tpu.memory_space<vmem_shared>> -> memref<640xf32, #tpu.memory_space<vmem_shared>>
      %dma_wait3A_158 = arith.constant 0 : i32
      %dma_wait3A_159 = tpu.memref_slice %arg8[%run_scoped3A_107, %dma_wait3A_158] : memref<16x10240xf32, #tpu.memory_space<vmem_shared>> -> memref<1x10240xf32, #tpu.memory_space<vmem_shared>>
      %dma_wait3A_160 = tpu.memref_squeeze %dma_wait3A_159 : memref<1x10240xf32, #tpu.memory_space<vmem_shared>> -> memref<10240xf32, #tpu.memory_space<vmem_shared>>
      %dma_wait3A_161 = tpu.memref_slice %dma_wait3A_160[%mul3A_106] : memref<10240xf32, #tpu.memory_space<vmem_shared>> -> memref<640xf32, #tpu.memory_space<vmem_shared>>
      tpu.wait_dma2 semaphore(%run_scoped3A_147 : memref<!tpu.dma_semaphore, #tpu.memory_space<semaphore_mem>>) src(%dma_wait3A_161 : memref<640xf32, #tpu.memory_space<vmem_shared>>) dst(%arg7 : memref<640xf32, #tpu.memory_space<vmem>>)
      tpu.yield
    }) : () -> ()
    %scan3A_108 = arith.constant 0 : i32
    %scan3A_109 = arith.constant 40 : i32
    %scan3A_110 = arith.addi %scan3A_108, %scan3A_109 : i32
    %scan3A_111 = arith.constant 1 : i32
    scf.for %scan3A_147 = %scan3A_108 to %scan3A_110 step %scan3A_111  : i32 {
      %mul3A_148 = arith.constant 16 : i32
      %mul3A_149 = arith.muli %scan3A_147, %mul3A_148 : i32
      %add3A_150 = arith.constant 0 : i32
      %add3A_151 = arith.addi %add3A_150, %mul3A_149 : i32
      %get3A = arith.index_cast %add3A_151 : i32 to index
      %get3A_152 = tpu.vector_load %arg6[%get3A] {strides = array<i32>} : memref<640xf32, #tpu.memory_space<vmem>>, vector<16xf32>,
      %get3A_153 = arith.index_cast %add3A_151 : i32 to index
      %get3A_154 = tpu.vector_load %arg7[%get3A_153] {strides = array<i32>} : memref<640xf32, #tpu.memory_space<vmem>>, vector<16xf32>,
      %add3A_155 = arith.addf %get3A_152, %get3A_154 : vector<16xf32>
      %swap3A = arith.index_cast %add3A_151 : i32 to index
      %swap3A_156 = tpu.vector_load %arg6[%swap3A] {strides = array<i32>} : memref<640xf32, #tpu.memory_space<vmem>>, vector<16xf32>,
      tpu.vector_store %arg6[%swap3A], %add3A_155 {strides = array<i32>} : memref<640xf32, #tpu.memory_space<vmem>>, vector<16xf32>,
    }
    %scan3A_112 = arith.constant 40 : i32
    %mul3A_113 = arith.constant 640 : i32
    %mul3A_114 = arith.muli %arg1, %mul3A_113 : i32
    %run_scoped3A_115 = arith.constant 12 : i32
    "tpu.region"() ({
      %run_scoped3A_147 = tpu.sem_alloc : memref<!tpu.dma_semaphore, #tpu.memory_space<semaphore_mem>>
      %dma_start3A = arith.constant 0 : i32
      %dma_start3A_148 = tpu.memref_slice %arg8[%run_scoped3A_115, %dma_start3A] : memref<16x10240xf32, #tpu.memory_space<vmem_shared>> -> memref<1x10240xf32, #tpu.memory_space<vmem_shared>>
      %dma_start3A_149 = tpu.memref_squeeze %dma_start3A_148 : memref<1x10240xf32, #tpu.memory_space<vmem_shared>> -> memref<10240xf32, #tpu.memory_space<vmem_shared>>
      %dma_start3A_150 = tpu.memref_slice %dma_start3A_149[%mul3A_114] : memref<10240xf32, #tpu.memory_space<vmem_shared>> -> memref<640xf32, #tpu.memory_space<vmem_shared>>
      %dma_start3A_151 = arith.constant 0 : i32
      %dma_start3A_152 = tpu.memref_slice %arg8[%run_scoped3A_115, %dma_start3A_151] : memref<16x10240xf32, #tpu.memory_space<vmem_shared>> -> memref<1x10240xf32, #tpu.memory_space<vmem_shared>>
      %dma_start3A_153 = tpu.memref_squeeze %dma_start3A_152 : memref<1x10240xf32, #tpu.memory_space<vmem_shared>> -> memref<10240xf32, #tpu.memory_space<vmem_shared>>
      %dma_start3A_154 = tpu.memref_slice %dma_start3A_153[%mul3A_114] : memref<10240xf32, #tpu.memory_space<vmem_shared>> -> memref<640xf32, #tpu.memory_space<vmem_shared>>
      tpu.enqueue_dma source(%dma_start3A_154 : memref<640xf32, #tpu.memory_space<vmem_shared>>) target(%arg7 : memref<640xf32, #tpu.memory_space<vmem>>) target_semaphore(%run_scoped3A_147 : memref<!tpu.dma_semaphore, #tpu.memory_space<semaphore_mem>>)
      %dma_wait3A = arith.constant 0 : i32
      %dma_wait3A_155 = tpu.memref_slice %arg8[%run_scoped3A_115, %dma_wait3A] : memref<16x10240xf32, #tpu.memory_space<vmem_shared>> -> memref<1x10240xf32, #tpu.memory_space<vmem_shared>>
      %dma_wait3A_156 = tpu.memref_squeeze %dma_wait3A_155 : memref<1x10240xf32, #tpu.memory_space<vmem_shared>> -> memref<10240xf32, #tpu.memory_space<vmem_shared>>
      %dma_wait3A_157 = tpu.memref_slice %dma_wait3A_156[%mul3A_114] : memref<10240xf32, #tpu.memory_space<vmem_shared>> -> memref<640xf32, #tpu.memory_space<vmem_shared>>
      %dma_wait3A_158 = arith.constant 0 : i32
      %dma_wait3A_159 = tpu.memref_slice %arg8[%run_scoped3A_115, %dma_wait3A_158] : memref<16x10240xf32, #tpu.memory_space<vmem_shared>> -> memref<1x10240xf32, #tpu.memory_space<vmem_shared>>
      %dma_wait3A_160 = tpu.memref_squeeze %dma_wait3A_159 : memref<1x10240xf32, #tpu.memory_space<vmem_shared>> -> memref<10240xf32, #tpu.memory_space<vmem_shared>>
      %dma_wait3A_161 = tpu.memref_slice %dma_wait3A_160[%mul3A_114] : memref<10240xf32, #tpu.memory_space<vmem_shared>> -> memref<640xf32, #tpu.memory_space<vmem_shared>>
      tpu.wait_dma2 semaphore(%run_scoped3A_147 : memref<!tpu.dma_semaphore, #tpu.memory_space<semaphore_mem>>) src(%dma_wait3A_161 : memref<640xf32, #tpu.memory_space<vmem_shared>>) dst(%arg7 : memref<640xf32, #tpu.memory_space<vmem>>)
      tpu.yield
    }) : () -> ()
    %scan3A_116 = arith.constant 0 : i32
    %scan3A_117 = arith.constant 40 : i32
    %scan3A_118 = arith.addi %scan3A_116, %scan3A_117 : i32
    %scan3A_119 = arith.constant 1 : i32
    scf.for %scan3A_147 = %scan3A_116 to %scan3A_118 step %scan3A_119  : i32 {
      %mul3A_148 = arith.constant 16 : i32
      %mul3A_149 = arith.muli %scan3A_147, %mul3A_148 : i32
      %add3A_150 = arith.constant 0 : i32
      %add3A_151 = arith.addi %add3A_150, %mul3A_149 : i32
      %get3A = arith.index_cast %add3A_151 : i32 to index
      %get3A_152 = tpu.vector_load %arg6[%get3A] {strides = array<i32>} : memref<640xf32, #tpu.memory_space<vmem>>, vector<16xf32>,
      %get3A_153 = arith.index_cast %add3A_151 : i32 to index
      %get3A_154 = tpu.vector_load %arg7[%get3A_153] {strides = array<i32>} : memref<640xf32, #tpu.memory_space<vmem>>, vector<16xf32>,
      %add3A_155 = arith.addf %get3A_152, %get3A_154 : vector<16xf32>
      %swap3A = arith.index_cast %add3A_151 : i32 to index
      %swap3A_156 = tpu.vector_load %arg6[%swap3A] {strides = array<i32>} : memref<640xf32, #tpu.memory_space<vmem>>, vector<16xf32>,
      tpu.vector_store %arg6[%swap3A], %add3A_155 {strides = array<i32>} : memref<640xf32, #tpu.memory_space<vmem>>, vector<16xf32>,
    }
    %scan3A_120 = arith.constant 40 : i32
    %mul3A_121 = arith.constant 640 : i32
    %mul3A_122 = arith.muli %arg1, %mul3A_121 : i32
    %run_scoped3A_123 = arith.constant 13 : i32
    "tpu.region"() ({
      %run_scoped3A_147 = tpu.sem_alloc : memref<!tpu.dma_semaphore, #tpu.memory_space<semaphore_mem>>
      %dma_start3A = arith.constant 0 : i32
      %dma_start3A_148 = tpu.memref_slice %arg8[%run_scoped3A_123, %dma_start3A] : memref<16x10240xf32, #tpu.memory_space<vmem_shared>> -> memref<1x10240xf32, #tpu.memory_space<vmem_shared>>
      %dma_start3A_149 = tpu.memref_squeeze %dma_start3A_148 : memref<1x10240xf32, #tpu.memory_space<vmem_shared>> -> memref<10240xf32, #tpu.memory_space<vmem_shared>>
      %dma_start3A_150 = tpu.memref_slice %dma_start3A_149[%mul3A_122] : memref<10240xf32, #tpu.memory_space<vmem_shared>> -> memref<640xf32, #tpu.memory_space<vmem_shared>>
      %dma_start3A_151 = arith.constant 0 : i32
      %dma_start3A_152 = tpu.memref_slice %arg8[%run_scoped3A_123, %dma_start3A_151] : memref<16x10240xf32, #tpu.memory_space<vmem_shared>> -> memref<1x10240xf32, #tpu.memory_space<vmem_shared>>
      %dma_start3A_153 = tpu.memref_squeeze %dma_start3A_152 : memref<1x10240xf32, #tpu.memory_space<vmem_shared>> -> memref<10240xf32, #tpu.memory_space<vmem_shared>>
      %dma_start3A_154 = tpu.memref_slice %dma_start3A_153[%mul3A_122] : memref<10240xf32, #tpu.memory_space<vmem_shared>> -> memref<640xf32, #tpu.memory_space<vmem_shared>>
      tpu.enqueue_dma source(%dma_start3A_154 : memref<640xf32, #tpu.memory_space<vmem_shared>>) target(%arg7 : memref<640xf32, #tpu.memory_space<vmem>>) target_semaphore(%run_scoped3A_147 : memref<!tpu.dma_semaphore, #tpu.memory_space<semaphore_mem>>)
      %dma_wait3A = arith.constant 0 : i32
      %dma_wait3A_155 = tpu.memref_slice %arg8[%run_scoped3A_123, %dma_wait3A] : memref<16x10240xf32, #tpu.memory_space<vmem_shared>> -> memref<1x10240xf32, #tpu.memory_space<vmem_shared>>
      %dma_wait3A_156 = tpu.memref_squeeze %dma_wait3A_155 : memref<1x10240xf32, #tpu.memory_space<vmem_shared>> -> memref<10240xf32, #tpu.memory_space<vmem_shared>>
      %dma_wait3A_157 = tpu.memref_slice %dma_wait3A_156[%mul3A_122] : memref<10240xf32, #tpu.memory_space<vmem_shared>> -> memref<640xf32, #tpu.memory_space<vmem_shared>>
      %dma_wait3A_158 = arith.constant 0 : i32
      %dma_wait3A_159 = tpu.memref_slice %arg8[%run_scoped3A_123, %dma_wait3A_158] : memref<16x10240xf32, #tpu.memory_space<vmem_shared>> -> memref<1x10240xf32, #tpu.memory_space<vmem_shared>>
      %dma_wait3A_160 = tpu.memref_squeeze %dma_wait3A_159 : memref<1x10240xf32, #tpu.memory_space<vmem_shared>> -> memref<10240xf32, #tpu.memory_space<vmem_shared>>
      %dma_wait3A_161 = tpu.memref_slice %dma_wait3A_160[%mul3A_122] : memref<10240xf32, #tpu.memory_space<vmem_shared>> -> memref<640xf32, #tpu.memory_space<vmem_shared>>
      tpu.wait_dma2 semaphore(%run_scoped3A_147 : memref<!tpu.dma_semaphore, #tpu.memory_space<semaphore_mem>>) src(%dma_wait3A_161 : memref<640xf32, #tpu.memory_space<vmem_shared>>) dst(%arg7 : memref<640xf32, #tpu.memory_space<vmem>>)
      tpu.yield
    }) : () -> ()
    %scan3A_124 = arith.constant 0 : i32
    %scan3A_125 = arith.constant 40 : i32
    %scan3A_126 = arith.addi %scan3A_124, %scan3A_125 : i32
    %scan3A_127 = arith.constant 1 : i32
    scf.for %scan3A_147 = %scan3A_124 to %scan3A_126 step %scan3A_127  : i32 {
      %mul3A_148 = arith.constant 16 : i32
      %mul3A_149 = arith.muli %scan3A_147, %mul3A_148 : i32
      %add3A_150 = arith.constant 0 : i32
      %add3A_151 = arith.addi %add3A_150, %mul3A_149 : i32
      %get3A = arith.index_cast %add3A_151 : i32 to index
      %get3A_152 = tpu.vector_load %arg6[%get3A] {strides = array<i32>} : memref<640xf32, #tpu.memory_space<vmem>>, vector<16xf32>,
      %get3A_153 = arith.index_cast %add3A_151 : i32 to index
      %get3A_154 = tpu.vector_load %arg7[%get3A_153] {strides = array<i32>} : memref<640xf32, #tpu.memory_space<vmem>>, vector<16xf32>,
      %add3A_155 = arith.addf %get3A_152, %get3A_154 : vector<16xf32>
      %swap3A = arith.index_cast %add3A_151 : i32 to index
      %swap3A_156 = tpu.vector_load %arg6[%swap3A] {strides = array<i32>} : memref<640xf32, #tpu.memory_space<vmem>>, vector<16xf32>,
      tpu.vector_store %arg6[%swap3A], %add3A_155 {strides = array<i32>} : memref<640xf32, #tpu.memory_space<vmem>>, vector<16xf32>,
    }
    %scan3A_128 = arith.constant 40 : i32
    %mul3A_129 = arith.constant 640 : i32
    %mul3A_130 = arith.muli %arg1, %mul3A_129 : i32
    %run_scoped3A_131 = arith.constant 14 : i32
    "tpu.region"() ({
      %run_scoped3A_147 = tpu.sem_alloc : memref<!tpu.dma_semaphore, #tpu.memory_space<semaphore_mem>>
      %dma_start3A = arith.constant 0 : i32
      %dma_start3A_148 = tpu.memref_slice %arg8[%run_scoped3A_131, %dma_start3A] : memref<16x10240xf32, #tpu.memory_space<vmem_shared>> -> memref<1x10240xf32, #tpu.memory_space<vmem_shared>>
      %dma_start3A_149 = tpu.memref_squeeze %dma_start3A_148 : memref<1x10240xf32, #tpu.memory_space<vmem_shared>> -> memref<10240xf32, #tpu.memory_space<vmem_shared>>
      %dma_start3A_150 = tpu.memref_slice %dma_start3A_149[%mul3A_130] : memref<10240xf32, #tpu.memory_space<vmem_shared>> -> memref<640xf32, #tpu.memory_space<vmem_shared>>
      %dma_start3A_151 = arith.constant 0 : i32
      %dma_start3A_152 = tpu.memref_slice %arg8[%run_scoped3A_131, %dma_start3A_151] : memref<16x10240xf32, #tpu.memory_space<vmem_shared>> -> memref<1x10240xf32, #tpu.memory_space<vmem_shared>>
      %dma_start3A_153 = tpu.memref_squeeze %dma_start3A_152 : memref<1x10240xf32, #tpu.memory_space<vmem_shared>> -> memref<10240xf32, #tpu.memory_space<vmem_shared>>
      %dma_start3A_154 = tpu.memref_slice %dma_start3A_153[%mul3A_130] : memref<10240xf32, #tpu.memory_space<vmem_shared>> -> memref<640xf32, #tpu.memory_space<vmem_shared>>
      tpu.enqueue_dma source(%dma_start3A_154 : memref<640xf32, #tpu.memory_space<vmem_shared>>) target(%arg7 : memref<640xf32, #tpu.memory_space<vmem>>) target_semaphore(%run_scoped3A_147 : memref<!tpu.dma_semaphore, #tpu.memory_space<semaphore_mem>>)
      %dma_wait3A = arith.constant 0 : i32
      %dma_wait3A_155 = tpu.memref_slice %arg8[%run_scoped3A_131, %dma_wait3A] : memref<16x10240xf32, #tpu.memory_space<vmem_shared>> -> memref<1x10240xf32, #tpu.memory_space<vmem_shared>>
      %dma_wait3A_156 = tpu.memref_squeeze %dma_wait3A_155 : memref<1x10240xf32, #tpu.memory_space<vmem_shared>> -> memref<10240xf32, #tpu.memory_space<vmem_shared>>
      %dma_wait3A_157 = tpu.memref_slice %dma_wait3A_156[%mul3A_130] : memref<10240xf32, #tpu.memory_space<vmem_shared>> -> memref<640xf32, #tpu.memory_space<vmem_shared>>
      %dma_wait3A_158 = arith.constant 0 : i32
      %dma_wait3A_159 = tpu.memref_slice %arg8[%run_scoped3A_131, %dma_wait3A_158] : memref<16x10240xf32, #tpu.memory_space<vmem_shared>> -> memref<1x10240xf32, #tpu.memory_space<vmem_shared>>
      %dma_wait3A_160 = tpu.memref_squeeze %dma_wait3A_159 : memref<1x10240xf32, #tpu.memory_space<vmem_shared>> -> memref<10240xf32, #tpu.memory_space<vmem_shared>>
      %dma_wait3A_161 = tpu.memref_slice %dma_wait3A_160[%mul3A_130] : memref<10240xf32, #tpu.memory_space<vmem_shared>> -> memref<640xf32, #tpu.memory_space<vmem_shared>>
      tpu.wait_dma2 semaphore(%run_scoped3A_147 : memref<!tpu.dma_semaphore, #tpu.memory_space<semaphore_mem>>) src(%dma_wait3A_161 : memref<640xf32, #tpu.memory_space<vmem_shared>>) dst(%arg7 : memref<640xf32, #tpu.memory_space<vmem>>)
      tpu.yield
    }) : () -> ()
    %scan3A_132 = arith.constant 0 : i32
    %scan3A_133 = arith.constant 40 : i32
    %scan3A_134 = arith.addi %scan3A_132, %scan3A_133 : i32
    %scan3A_135 = arith.constant 1 : i32
    scf.for %scan3A_147 = %scan3A_132 to %scan3A_134 step %scan3A_135  : i32 {
      %mul3A_148 = arith.constant 16 : i32
      %mul3A_149 = arith.muli %scan3A_147, %mul3A_148 : i32
      %add3A_150 = arith.constant 0 : i32
      %add3A_151 = arith.addi %add3A_150, %mul3A_149 : i32
      %get3A = arith.index_cast %add3A_151 : i32 to index
      %get3A_152 = tpu.vector_load %arg6[%get3A] {strides = array<i32>} : memref<640xf32, #tpu.memory_space<vmem>>, vector<16xf32>,
      %get3A_153 = arith.index_cast %add3A_151 : i32 to index
      %get3A_154 = tpu.vector_load %arg7[%get3A_153] {strides = array<i32>} : memref<640xf32, #tpu.memory_space<vmem>>, vector<16xf32>,
      %add3A_155 = arith.addf %get3A_152, %get3A_154 : vector<16xf32>
      %swap3A = arith.index_cast %add3A_151 : i32 to index
      %swap3A_156 = tpu.vector_load %arg6[%swap3A] {strides = array<i32>} : memref<640xf32, #tpu.memory_space<vmem>>, vector<16xf32>,
      tpu.vector_store %arg6[%swap3A], %add3A_155 {strides = array<i32>} : memref<640xf32, #tpu.memory_space<vmem>>, vector<16xf32>,
    }
    %scan3A_136 = arith.constant 40 : i32
    %mul3A_137 = arith.constant 640 : i32
    %mul3A_138 = arith.muli %arg1, %mul3A_137 : i32
    %run_scoped3A_139 = arith.constant 15 : i32
    "tpu.region"() ({
      %run_scoped3A_147 = tpu.sem_alloc : memref<!tpu.dma_semaphore, #tpu.memory_space<semaphore_mem>>
      %dma_start3A = arith.constant 0 : i32
      %dma_start3A_148 = tpu.memref_slice %arg8[%run_scoped3A_139, %dma_start3A] : memref<16x10240xf32, #tpu.memory_space<vmem_shared>> -> memref<1x10240xf32, #tpu.memory_space<vmem_shared>>
      %dma_start3A_149 = tpu.memref_squeeze %dma_start3A_148 : memref<1x10240xf32, #tpu.memory_space<vmem_shared>> -> memref<10240xf32, #tpu.memory_space<vmem_shared>>
      %dma_start3A_150 = tpu.memref_slice %dma_start3A_149[%mul3A_138] : memref<10240xf32, #tpu.memory_space<vmem_shared>> -> memref<640xf32, #tpu.memory_space<vmem_shared>>
      %dma_start3A_151 = arith.constant 0 : i32
      %dma_start3A_152 = tpu.memref_slice %arg8[%run_scoped3A_139, %dma_start3A_151] : memref<16x10240xf32, #tpu.memory_space<vmem_shared>> -> memref<1x10240xf32, #tpu.memory_space<vmem_shared>>
      %dma_start3A_153 = tpu.memref_squeeze %dma_start3A_152 : memref<1x10240xf32, #tpu.memory_space<vmem_shared>> -> memref<10240xf32, #tpu.memory_space<vmem_shared>>
      %dma_start3A_154 = tpu.memref_slice %dma_start3A_153[%mul3A_138] : memref<10240xf32, #tpu.memory_space<vmem_shared>> -> memref<640xf32, #tpu.memory_space<vmem_shared>>
      tpu.enqueue_dma source(%dma_start3A_154 : memref<640xf32, #tpu.memory_space<vmem_shared>>) target(%arg7 : memref<640xf32, #tpu.memory_space<vmem>>) target_semaphore(%run_scoped3A_147 : memref<!tpu.dma_semaphore, #tpu.memory_space<semaphore_mem>>)
      %dma_wait3A = arith.constant 0 : i32
      %dma_wait3A_155 = tpu.memref_slice %arg8[%run_scoped3A_139, %dma_wait3A] : memref<16x10240xf32, #tpu.memory_space<vmem_shared>> -> memref<1x10240xf32, #tpu.memory_space<vmem_shared>>
      %dma_wait3A_156 = tpu.memref_squeeze %dma_wait3A_155 : memref<1x10240xf32, #tpu.memory_space<vmem_shared>> -> memref<10240xf32, #tpu.memory_space<vmem_shared>>
      %dma_wait3A_157 = tpu.memref_slice %dma_wait3A_156[%mul3A_138] : memref<10240xf32, #tpu.memory_space<vmem_shared>> -> memref<640xf32, #tpu.memory_space<vmem_shared>>
      %dma_wait3A_158 = arith.constant 0 : i32
      %dma_wait3A_159 = tpu.memref_slice %arg8[%run_scoped3A_139, %dma_wait3A_158] : memref<16x10240xf32, #tpu.memory_space<vmem_shared>> -> memref<1x10240xf32, #tpu.memory_space<vmem_shared>>
      %dma_wait3A_160 = tpu.memref_squeeze %dma_wait3A_159 : memref<1x10240xf32, #tpu.memory_space<vmem_shared>> -> memref<10240xf32, #tpu.memory_space<vmem_shared>>
      %dma_wait3A_161 = tpu.memref_slice %dma_wait3A_160[%mul3A_138] : memref<10240xf32, #tpu.memory_space<vmem_shared>> -> memref<640xf32, #tpu.memory_space<vmem_shared>>
      tpu.wait_dma2 semaphore(%run_scoped3A_147 : memref<!tpu.dma_semaphore, #tpu.memory_space<semaphore_mem>>) src(%dma_wait3A_161 : memref<640xf32, #tpu.memory_space<vmem_shared>>) dst(%arg7 : memref<640xf32, #tpu.memory_space<vmem>>)
      tpu.yield
    }) : () -> ()
    %scan3A_140 = arith.constant 0 : i32
    %scan3A_141 = arith.constant 40 : i32
    %scan3A_142 = arith.addi %scan3A_140, %scan3A_141 : i32
    %scan3A_143 = arith.constant 1 : i32
    scf.for %scan3A_147 = %scan3A_140 to %scan3A_142 step %scan3A_143  : i32 {
      %mul3A_148 = arith.constant 16 : i32
      %mul3A_149 = arith.muli %scan3A_147, %mul3A_148 : i32
      %add3A_150 = arith.constant 0 : i32
      %add3A_151 = arith.addi %add3A_150, %mul3A_149 : i32
      %get3A = arith.index_cast %add3A_151 : i32 to index
      %get3A_152 = tpu.vector_load %arg6[%get3A] {strides = array<i32>} : memref<640xf32, #tpu.memory_space<vmem>>, vector<16xf32>,
      %get3A_153 = arith.index_cast %add3A_151 : i32 to index
      %get3A_154 = tpu.vector_load %arg7[%get3A_153] {strides = array<i32>} : memref<640xf32, #tpu.memory_space<vmem>>, vector<16xf32>,
      %add3A_155 = arith.addf %get3A_152, %get3A_154 : vector<16xf32>
      %swap3A = arith.index_cast %add3A_151 : i32 to index
      %swap3A_156 = tpu.vector_load %arg6[%swap3A] {strides = array<i32>} : memref<640xf32, #tpu.memory_space<vmem>>, vector<16xf32>,
      tpu.vector_store %arg6[%swap3A], %add3A_155 {strides = array<i32>} : memref<640xf32, #tpu.memory_space<vmem>>, vector<16xf32>,
    }
    %scan3A_144 = arith.constant 40 : i32
    %mul3A_145 = arith.constant 640 : i32
    %mul3A_146 = arith.muli %arg1, %mul3A_145 : i32
    "tpu.region"() ({
      %run_scoped3A_147 = tpu.sem_alloc : memref<!tpu.dma_semaphore, #tpu.memory_space<semaphore_mem>>
      %dma_start3A = arith.constant 0 : i32
      %dma_start3A_148 = tpu.memref_slice %arg3[%arg0, %dma_start3A] : memref<2x10240xf32, #tpu.memory_space<hbm>> -> memref<1x10240xf32, #tpu.memory_space<hbm>>
      %dma_start3A_149 = tpu.memref_squeeze %dma_start3A_148 : memref<1x10240xf32, #tpu.memory_space<hbm>> -> memref<10240xf32, #tpu.memory_space<hbm>>
      %dma_start3A_150 = tpu.memref_slice %dma_start3A_149[%mul3A_146] : memref<10240xf32, #tpu.memory_space<hbm>> -> memref<640xf32, #tpu.memory_space<hbm>>
      %dma_start3A_151 = arith.constant 0 : i32
      %dma_start3A_152 = tpu.memref_slice %arg3[%arg0, %dma_start3A_151] : memref<2x10240xf32, #tpu.memory_space<hbm>> -> memref<1x10240xf32, #tpu.memory_space<hbm>>
      %dma_start3A_153 = tpu.memref_squeeze %dma_start3A_152 : memref<1x10240xf32, #tpu.memory_space<hbm>> -> memref<10240xf32, #tpu.memory_space<hbm>>
      %dma_start3A_154 = tpu.memref_slice %dma_start3A_153[%mul3A_146] : memref<10240xf32, #tpu.memory_space<hbm>> -> memref<640xf32, #tpu.memory_space<hbm>>
      tpu.enqueue_dma source(%arg6 : memref<640xf32, #tpu.memory_space<vmem>>) target(%dma_start3A_154 : memref<640xf32, #tpu.memory_space<hbm>>) target_semaphore(%run_scoped3A_147 : memref<!tpu.dma_semaphore, #tpu.memory_space<semaphore_mem>>)
      %dma_wait3A = arith.constant 0 : i32
      %dma_wait3A_155 = tpu.memref_slice %arg3[%arg0, %dma_wait3A] : memref<2x10240xf32, #tpu.memory_space<hbm>> -> memref<1x10240xf32, #tpu.memory_space<hbm>>
      %dma_wait3A_156 = tpu.memref_squeeze %dma_wait3A_155 : memref<1x10240xf32, #tpu.memory_space<hbm>> -> memref<10240xf32, #tpu.memory_space<hbm>>
      %dma_wait3A_157 = tpu.memref_slice %dma_wait3A_156[%mul3A_146] : memref<10240xf32, #tpu.memory_space<hbm>> -> memref<640xf32, #tpu.memory_space<hbm>>
      %dma_wait3A_158 = arith.constant 0 : i32
      %dma_wait3A_159 = tpu.memref_slice %arg3[%arg0, %dma_wait3A_158] : memref<2x10240xf32, #tpu.memory_space<hbm>> -> memref<1x10240xf32, #tpu.memory_space<hbm>>
      %dma_wait3A_160 = tpu.memref_squeeze %dma_wait3A_159 : memref<1x10240xf32, #tpu.memory_space<hbm>> -> memref<10240xf32, #tpu.memory_space<hbm>>
      %dma_wait3A_161 = tpu.memref_slice %dma_wait3A_160[%mul3A_146] : memref<10240xf32, #tpu.memory_space<hbm>> -> memref<640xf32, #tpu.memory_space<hbm>>
      tpu.wait_dma2 semaphore(%run_scoped3A_147 : memref<!tpu.dma_semaphore, #tpu.memory_space<semaphore_mem>>) src(%arg6 : memref<640xf32, #tpu.memory_space<vmem>>) dst(%dma_wait3A_161 : memref<640xf32, #tpu.memory_space<hbm>>)
      tpu.yield
    }) : () -> ()
    return
  }
}

#map = affine_map<(d0, d1) -> (0, 0)>
#map1 = affine_map<(d0, d1) -> (0, 0, 0)>
module attributes {stable_mosaic.version = 14 : i64} {
  func.func @conv_k(%arg0: i32, %arg1: i32, %arg2: memref<10000x128xf32, #tpu.memory_space<hbm>>, %arg3: memref<32x79x128xi32, #tpu.memory_space<hbm>>, %arg4: memref<32x79x128xi32, #tpu.memory_space<hbm>>, %arg5: memref<640x128xf32, #tpu.memory_space<hbm>>, %arg6: memref<2x10240x128xf32, #tpu.memory_space<hbm>>, %arg7: memref<79x128xi32, #tpu.memory_space<vmem>>, %arg8: memref<79x128xi32, #tpu.memory_space<vmem>>, %arg9: memref<128x128xf32, #tpu.memory_space<vmem>>, %arg10: memref<10240x128xf32, #tpu.memory_space<vmem_shared>>, %arg11: memref<!tpu.dma_semaphore, #tpu.memory_space<semaphore_mem>>) attributes {dimension_semantics = [#tpu.dimension_semantics<core_parallel>, #tpu.dimension_semantics<subcore_parallel>], iteration_bounds = array<i64: 2, 16>, scalar_prefetch = 0 : i64, scratch_operands = 5 : i64, tpu.core_type = #tpu.core_type<sc_vector_subcore>, window_params = [{transform_indices = #map}, {transform_indices = #map1}, {transform_indices = #map1}, {transform_indices = #map}, {transform_indices = #map1}]} {
    %mul3A = arith.constant 16 : i32
    %mul3A_0 = arith.muli %arg0, %mul3A : i32
    %add3A = arith.addi %mul3A_0, %arg1 : i32
    "tpu.region"() ({
      %run_scoped3A = tpu.sem_alloc : memref<!tpu.dma_semaphore, #tpu.memory_space<semaphore_mem>>
      %dma_start3A = arith.constant 0 : i32
      %dma_start3A_12 = arith.constant 0 : i32
      %dma_start3A_13 = tpu.memref_slice %arg3[%add3A, %dma_start3A, %dma_start3A_12] : memref<32x79x128xi32, #tpu.memory_space<hbm>> -> memref<1x79x128xi32, #tpu.memory_space<hbm>>
      %dma_start3A_14 = tpu.memref_squeeze %dma_start3A_13 : memref<1x79x128xi32, #tpu.memory_space<hbm>> -> memref<79x128xi32, #tpu.memory_space<hbm>>
      %dma_start3A_15 = arith.constant 0 : i32
      %dma_start3A_16 = arith.constant 0 : i32
      %dma_start3A_17 = tpu.memref_slice %arg3[%add3A, %dma_start3A_15, %dma_start3A_16] : memref<32x79x128xi32, #tpu.memory_space<hbm>> -> memref<1x79x128xi32, #tpu.memory_space<hbm>>
      %dma_start3A_18 = tpu.memref_squeeze %dma_start3A_17 : memref<1x79x128xi32, #tpu.memory_space<hbm>> -> memref<79x128xi32, #tpu.memory_space<hbm>>
      tpu.enqueue_dma source(%dma_start3A_18 : memref<79x128xi32, #tpu.memory_space<hbm>>) target(%arg7 : memref<79x128xi32, #tpu.memory_space<vmem>>) target_semaphore(%run_scoped3A : memref<!tpu.dma_semaphore, #tpu.memory_space<semaphore_mem>>)
      %dma_wait3A = arith.constant 0 : i32
      %dma_wait3A_19 = arith.constant 0 : i32
      %dma_wait3A_20 = tpu.memref_slice %arg3[%add3A, %dma_wait3A, %dma_wait3A_19] : memref<32x79x128xi32, #tpu.memory_space<hbm>> -> memref<1x79x128xi32, #tpu.memory_space<hbm>>
      %dma_wait3A_21 = tpu.memref_squeeze %dma_wait3A_20 : memref<1x79x128xi32, #tpu.memory_space<hbm>> -> memref<79x128xi32, #tpu.memory_space<hbm>>
      %dma_wait3A_22 = arith.constant 0 : i32
      %dma_wait3A_23 = arith.constant 0 : i32
      %dma_wait3A_24 = tpu.memref_slice %arg3[%add3A, %dma_wait3A_22, %dma_wait3A_23] : memref<32x79x128xi32, #tpu.memory_space<hbm>> -> memref<1x79x128xi32, #tpu.memory_space<hbm>>
      %dma_wait3A_25 = tpu.memref_squeeze %dma_wait3A_24 : memref<1x79x128xi32, #tpu.memory_space<hbm>> -> memref<79x128xi32, #tpu.memory_space<hbm>>
      tpu.wait_dma2 semaphore(%run_scoped3A : memref<!tpu.dma_semaphore, #tpu.memory_space<semaphore_mem>>) src(%dma_wait3A_25 : memref<79x128xi32, #tpu.memory_space<hbm>>) dst(%arg7 : memref<79x128xi32, #tpu.memory_space<vmem>>)
      tpu.yield
    }) : () -> ()
    "tpu.region"() ({
      %run_scoped3A = tpu.sem_alloc : memref<!tpu.dma_semaphore, #tpu.memory_space<semaphore_mem>>
      %dma_start3A = arith.constant 0 : i32
      %dma_start3A_12 = arith.constant 0 : i32
      %dma_start3A_13 = tpu.memref_slice %arg4[%add3A, %dma_start3A, %dma_start3A_12] : memref<32x79x128xi32, #tpu.memory_space<hbm>> -> memref<1x79x128xi32, #tpu.memory_space<hbm>>
      %dma_start3A_14 = tpu.memref_squeeze %dma_start3A_13 : memref<1x79x128xi32, #tpu.memory_space<hbm>> -> memref<79x128xi32, #tpu.memory_space<hbm>>
      %dma_start3A_15 = arith.constant 0 : i32
      %dma_start3A_16 = arith.constant 0 : i32
      %dma_start3A_17 = tpu.memref_slice %arg4[%add3A, %dma_start3A_15, %dma_start3A_16] : memref<32x79x128xi32, #tpu.memory_space<hbm>> -> memref<1x79x128xi32, #tpu.memory_space<hbm>>
      %dma_start3A_18 = tpu.memref_squeeze %dma_start3A_17 : memref<1x79x128xi32, #tpu.memory_space<hbm>> -> memref<79x128xi32, #tpu.memory_space<hbm>>
      tpu.enqueue_dma source(%dma_start3A_18 : memref<79x128xi32, #tpu.memory_space<hbm>>) target(%arg8 : memref<79x128xi32, #tpu.memory_space<vmem>>) target_semaphore(%run_scoped3A : memref<!tpu.dma_semaphore, #tpu.memory_space<semaphore_mem>>)
      %dma_wait3A = arith.constant 0 : i32
      %dma_wait3A_19 = arith.constant 0 : i32
      %dma_wait3A_20 = tpu.memref_slice %arg4[%add3A, %dma_wait3A, %dma_wait3A_19] : memref<32x79x128xi32, #tpu.memory_space<hbm>> -> memref<1x79x128xi32, #tpu.memory_space<hbm>>
      %dma_wait3A_21 = tpu.memref_squeeze %dma_wait3A_20 : memref<1x79x128xi32, #tpu.memory_space<hbm>> -> memref<79x128xi32, #tpu.memory_space<hbm>>
      %dma_wait3A_22 = arith.constant 0 : i32
      %dma_wait3A_23 = arith.constant 0 : i32
      %dma_wait3A_24 = tpu.memref_slice %arg4[%add3A, %dma_wait3A_22, %dma_wait3A_23] : memref<32x79x128xi32, #tpu.memory_space<hbm>> -> memref<1x79x128xi32, #tpu.memory_space<hbm>>
      %dma_wait3A_25 = tpu.memref_squeeze %dma_wait3A_24 : memref<1x79x128xi32, #tpu.memory_space<hbm>> -> memref<79x128xi32, #tpu.memory_space<hbm>>
      tpu.wait_dma2 semaphore(%run_scoped3A : memref<!tpu.dma_semaphore, #tpu.memory_space<semaphore_mem>>) src(%dma_wait3A_25 : memref<79x128xi32, #tpu.memory_space<hbm>>) dst(%arg8 : memref<79x128xi32, #tpu.memory_space<vmem>>)
      tpu.yield
    }) : () -> ()
    %mul3A_1 = arith.constant 640 : i32
    %mul3A_2 = arith.muli %arg1, %mul3A_1 : i32
    "tpu.region"() ({
      %run_scoped3A = tpu.sem_alloc : memref<!tpu.dma_semaphore, #tpu.memory_space<semaphore_mem>>
      %dma_start3A = arith.constant 0 : i32
      %dma_start3A_12 = tpu.memref_slice %arg10[%mul3A_2, %dma_start3A] : memref<10240x128xf32, #tpu.memory_space<vmem_shared>> -> memref<640x128xf32, #tpu.memory_space<vmem_shared>>
      tpu.enqueue_dma source(%arg5 : memref<640x128xf32, #tpu.memory_space<hbm>>) target(%dma_start3A_12 : memref<640x128xf32, #tpu.memory_space<vmem_shared>>) target_semaphore(%run_scoped3A : memref<!tpu.dma_semaphore, #tpu.memory_space<semaphore_mem>>)
      %dma_wait3A = arith.constant 0 : i32
      %dma_wait3A_13 = tpu.memref_slice %arg10[%mul3A_2, %dma_wait3A] : memref<10240x128xf32, #tpu.memory_space<vmem_shared>> -> memref<640x128xf32, #tpu.memory_space<vmem_shared>>
      tpu.wait_dma2 semaphore(%run_scoped3A : memref<!tpu.dma_semaphore, #tpu.memory_space<semaphore_mem>>) src(%arg5 : memref<640x128xf32, #tpu.memory_space<hbm>>) dst(%dma_wait3A_13 : memref<640x128xf32, #tpu.memory_space<vmem_shared>>)
      tpu.yield
    }) : () -> ()
    %barrier3A = arith.constant 0 : index
    tpu.barrier barrier_id(%barrier3A)
    %scan3A = arith.constant 0 : i32
    %scan3A_3 = arith.constant 79 : i32
    %scan3A_4 = arith.addi %scan3A, %scan3A_3 : i32
    %scan3A_5 = arith.constant 1 : i32
    scf.for %scan3A_12 = %scan3A to %scan3A_4 step %scan3A_5  : i32 {
      %mul3A_13 = arith.constant 1 : i32
      %mul3A_14 = arith.muli %scan3A_12, %mul3A_13 : i32
      %add3A_15 = arith.constant 0 : i32
      %add3A_16 = arith.addi %add3A_15, %mul3A_14 : i32
      %dma_start3A = arith.constant 0 : i32
      %dma_start3A_17 = tpu.memref_slice %arg7[%add3A_16, %dma_start3A] : memref<79x128xi32, #tpu.memory_space<vmem>> -> memref<1x128xi32, #tpu.memory_space<vmem>>
      %dma_start3A_18 = tpu.memref_squeeze %dma_start3A_17 : memref<1x128xi32, #tpu.memory_space<vmem>> -> memref<128xi32, #tpu.memory_space<vmem>>
      %dma_start3A_19 = arith.constant 0 : i32
      %dma_start3A_20 = arith.constant 0 : i32
      %dma_start3A_21 = tpu.memref_slice %arg2[%dma_start3A_19, %dma_start3A_20] : memref<10000x128xf32, #tpu.memory_space<hbm>> -> memref<10000x128xf32, #tpu.memory_space<hbm>>
      tpu.enqueue_indirect_dma source(%dma_start3A_21 : memref<10000x128xf32, #tpu.memory_space<hbm>>) target(%arg9 : memref<128x128xf32, #tpu.memory_space<vmem>>) offsets(%dma_start3A_18 : memref<128xi32, #tpu.memory_space<vmem>>) semaphore(%arg11 : memref<!tpu.dma_semaphore, #tpu.memory_space<semaphore_mem>>)
      %dma_wait3A = arith.constant 0 : i32
      %dma_wait3A_22 = tpu.memref_slice %arg7[%add3A_16, %dma_wait3A] : memref<79x128xi32, #tpu.memory_space<vmem>> -> memref<1x128xi32, #tpu.memory_space<vmem>>
      %dma_wait3A_23 = tpu.memref_squeeze %dma_wait3A_22 : memref<1x128xi32, #tpu.memory_space<vmem>> -> memref<128xi32, #tpu.memory_space<vmem>>
      %dma_wait3A_24 = arith.constant 0 : i32
      %dma_wait3A_25 = arith.constant 0 : i32
      %dma_wait3A_26 = tpu.memref_slice %arg2[%dma_wait3A_24, %dma_wait3A_25] : memref<10000x128xf32, #tpu.memory_space<hbm>> -> memref<10000x128xf32, #tpu.memory_space<hbm>>
      tpu.wait_indirect_dma semaphore(%arg11 : memref<!tpu.dma_semaphore, #tpu.memory_space<semaphore_mem>>) src(%dma_wait3A_26 : memref<10000x128xf32, #tpu.memory_space<hbm>>) dst(%arg9 : memref<128x128xf32, #tpu.memory_space<vmem>>)
      "tpu.region"() ({
        %run_scoped3A = tpu.sem_alloc : memref<!tpu.dma_semaphore, #tpu.memory_space<semaphore_mem>>
        %dma_start3A_27 = arith.constant 0 : i32
        %dma_start3A_28 = tpu.memref_slice %arg8[%add3A_16, %dma_start3A_27] : memref<79x128xi32, #tpu.memory_space<vmem>> -> memref<1x128xi32, #tpu.memory_space<vmem>>
        %dma_start3A_29 = tpu.memref_squeeze %dma_start3A_28 : memref<1x128xi32, #tpu.memory_space<vmem>> -> memref<128xi32, #tpu.memory_space<vmem>>
        %dma_start3A_30 = arith.constant 0 : i32
        %dma_start3A_31 = arith.constant 0 : i32
        %dma_start3A_32 = tpu.memref_slice %arg10[%dma_start3A_30, %dma_start3A_31] : memref<10240x128xf32, #tpu.memory_space<vmem_shared>> -> memref<10240x128xf32, #tpu.memory_space<vmem_shared>>
        tpu.enqueue_indirect_dma source(%arg9 : memref<128x128xf32, #tpu.memory_space<vmem>>) target(%dma_start3A_32 : memref<10240x128xf32, #tpu.memory_space<vmem_shared>>) offsets(%dma_start3A_29 : memref<128xi32, #tpu.memory_space<vmem>>) semaphore(%run_scoped3A : memref<!tpu.dma_semaphore, #tpu.memory_space<semaphore_mem>>) {add = true}
        %dma_wait3A_33 = arith.constant 0 : i32
        %dma_wait3A_34 = tpu.memref_slice %arg8[%add3A_16, %dma_wait3A_33] : memref<79x128xi32, #tpu.memory_space<vmem>> -> memref<1x128xi32, #tpu.memory_space<vmem>>
        %dma_wait3A_35 = tpu.memref_squeeze %dma_wait3A_34 : memref<1x128xi32, #tpu.memory_space<vmem>> -> memref<128xi32, #tpu.memory_space<vmem>>
        %dma_wait3A_36 = arith.constant 0 : i32
        %dma_wait3A_37 = arith.constant 0 : i32
        %dma_wait3A_38 = tpu.memref_slice %arg10[%dma_wait3A_36, %dma_wait3A_37] : memref<10240x128xf32, #tpu.memory_space<vmem_shared>> -> memref<10240x128xf32, #tpu.memory_space<vmem_shared>>
        tpu.wait_indirect_dma semaphore(%run_scoped3A : memref<!tpu.dma_semaphore, #tpu.memory_space<semaphore_mem>>) src(%arg9 : memref<128x128xf32, #tpu.memory_space<vmem>>) dst(%dma_wait3A_38 : memref<10240x128xf32, #tpu.memory_space<vmem_shared>>)
        tpu.yield
      }) : () -> ()
    }
    %scan3A_6 = arith.constant 79 : i32
    %barrier3A_7 = arith.constant 0 : index
    tpu.barrier barrier_id(%barrier3A_7)
    %mul3A_8 = arith.constant 640 : i32
    %mul3A_9 = arith.muli %arg1, %mul3A_8 : i32
    %mul3A_10 = arith.constant 640 : i32
    %mul3A_11 = arith.muli %arg1, %mul3A_10 : i32
    "tpu.region"() ({
      %run_scoped3A = tpu.sem_alloc : memref<!tpu.dma_semaphore, #tpu.memory_space<semaphore_mem>>
      %dma_start3A = arith.constant 0 : i32
      %dma_start3A_12 = arith.constant 0 : i32
      %dma_start3A_13 = tpu.memref_slice %arg6[%arg0, %dma_start3A, %dma_start3A_12] : memref<2x10240x128xf32, #tpu.memory_space<hbm>> -> memref<1x10240x128xf32, #tpu.memory_space<hbm>>
      %dma_start3A_14 = tpu.memref_squeeze %dma_start3A_13 : memref<1x10240x128xf32, #tpu.memory_space<hbm>> -> memref<10240x128xf32, #tpu.memory_space<hbm>>
      %dma_start3A_15 = arith.constant 0 : i32
      %dma_start3A_16 = tpu.memref_slice %dma_start3A_14[%mul3A_11, %dma_start3A_15] : memref<10240x128xf32, #tpu.memory_space<hbm>> -> memref<640x128xf32, #tpu.memory_space<hbm>>
      %dma_start3A_17 = arith.constant 0 : i32
      %dma_start3A_18 = tpu.memref_slice %arg10[%mul3A_9, %dma_start3A_17] : memref<10240x128xf32, #tpu.memory_space<vmem_shared>> -> memref<640x128xf32, #tpu.memory_space<vmem_shared>>
      tpu.enqueue_dma source(%dma_start3A_18 : memref<640x128xf32, #tpu.memory_space<vmem_shared>>) target(%dma_start3A_16 : memref<640x128xf32, #tpu.memory_space<hbm>>) target_semaphore(%run_scoped3A : memref<!tpu.dma_semaphore, #tpu.memory_space<semaphore_mem>>)
      %dma_wait3A = arith.constant 0 : i32
      %dma_wait3A_19 = arith.constant 0 : i32
      %dma_wait3A_20 = tpu.memref_slice %arg6[%arg0, %dma_wait3A, %dma_wait3A_19] : memref<2x10240x128xf32, #tpu.memory_space<hbm>> -> memref<1x10240x128xf32, #tpu.memory_space<hbm>>
      %dma_wait3A_21 = tpu.memref_squeeze %dma_wait3A_20 : memref<1x10240x128xf32, #tpu.memory_space<hbm>> -> memref<10240x128xf32, #tpu.memory_space<hbm>>
      %dma_wait3A_22 = arith.constant 0 : i32
      %dma_wait3A_23 = tpu.memref_slice %dma_wait3A_21[%mul3A_11, %dma_wait3A_22] : memref<10240x128xf32, #tpu.memory_space<hbm>> -> memref<640x128xf32, #tpu.memory_space<hbm>>
      %dma_wait3A_24 = arith.constant 0 : i32
      %dma_wait3A_25 = tpu.memref_slice %arg10[%mul3A_9, %dma_wait3A_24] : memref<10240x128xf32, #tpu.memory_space<vmem_shared>> -> memref<640x128xf32, #tpu.memory_space<vmem_shared>>
      tpu.wait_dma2 semaphore(%run_scoped3A : memref<!tpu.dma_semaphore, #tpu.memory_space<semaphore_mem>>) src(%dma_wait3A_25 : memref<640x128xf32, #tpu.memory_space<vmem_shared>>) dst(%dma_wait3A_23 : memref<640x128xf32, #tpu.memory_space<hbm>>)
      tpu.yield
    }) : () -> ()
    return
  }
}

#map = affine_map<(d0, d1) -> (0, 0)>
#map1 = affine_map<(d0, d1) -> (0, 0, 0)>
module attributes {stable_mosaic.version = 14 : i64} {
  func.func @conv_k(%arg0: i32, %arg1: i32, %arg2: memref<10000x128xf32, #tpu.memory_space<hbm>>, %arg3: memref<32x79x128xi32, #tpu.memory_space<hbm>>, %arg4: memref<32x79x128xi32, #tpu.memory_space<hbm>>, %arg5: memref<640x128xf32, #tpu.memory_space<hbm>>, %arg6: memref<2x10240x128xf32, #tpu.memory_space<hbm>>, %arg7: memref<79x128xi32, #tpu.memory_space<vmem>>, %arg8: memref<79x128xi32, #tpu.memory_space<vmem>>, %arg9: memref<128x128xf32, #tpu.memory_space<vmem>>, %arg10: memref<10240x128xf32, #tpu.memory_space<vmem_shared>>, %arg11: memref<!tpu.dma_semaphore, #tpu.memory_space<semaphore_mem>>) attributes {dimension_semantics = [#tpu.dimension_semantics<core_parallel>, #tpu.dimension_semantics<subcore_parallel>], iteration_bounds = array<i64: 2, 16>, scalar_prefetch = 0 : i64, scratch_operands = 5 : i64, tpu.core_type = #tpu.core_type<sc_vector_subcore>, window_params = [{transform_indices = #map}, {transform_indices = #map1}, {transform_indices = #map1}, {transform_indices = #map}, {transform_indices = #map1}]} {
    %mul3A = arith.constant 16 : i32
    %mul3A_0 = arith.muli %arg0, %mul3A : i32
    %add3A = arith.addi %mul3A_0, %arg1 : i32
    "tpu.region"() ({
      %run_scoped3A = tpu.sem_alloc : memref<!tpu.dma_semaphore, #tpu.memory_space<semaphore_mem>>
      %dma_start3A = arith.constant 0 : i32
      %dma_start3A_12 = arith.constant 0 : i32
      %dma_start3A_13 = tpu.memref_slice %arg3[%add3A, %dma_start3A, %dma_start3A_12] : memref<32x79x128xi32, #tpu.memory_space<hbm>> -> memref<1x79x128xi32, #tpu.memory_space<hbm>>
      %dma_start3A_14 = tpu.memref_squeeze %dma_start3A_13 : memref<1x79x128xi32, #tpu.memory_space<hbm>> -> memref<79x128xi32, #tpu.memory_space<hbm>>
      %dma_start3A_15 = arith.constant 0 : i32
      %dma_start3A_16 = arith.constant 0 : i32
      %dma_start3A_17 = tpu.memref_slice %arg3[%add3A, %dma_start3A_15, %dma_start3A_16] : memref<32x79x128xi32, #tpu.memory_space<hbm>> -> memref<1x79x128xi32, #tpu.memory_space<hbm>>
      %dma_start3A_18 = tpu.memref_squeeze %dma_start3A_17 : memref<1x79x128xi32, #tpu.memory_space<hbm>> -> memref<79x128xi32, #tpu.memory_space<hbm>>
      tpu.enqueue_dma source(%dma_start3A_18 : memref<79x128xi32, #tpu.memory_space<hbm>>) target(%arg7 : memref<79x128xi32, #tpu.memory_space<vmem>>) target_semaphore(%run_scoped3A : memref<!tpu.dma_semaphore, #tpu.memory_space<semaphore_mem>>)
      %dma_wait3A = arith.constant 0 : i32
      %dma_wait3A_19 = arith.constant 0 : i32
      %dma_wait3A_20 = tpu.memref_slice %arg3[%add3A, %dma_wait3A, %dma_wait3A_19] : memref<32x79x128xi32, #tpu.memory_space<hbm>> -> memref<1x79x128xi32, #tpu.memory_space<hbm>>
      %dma_wait3A_21 = tpu.memref_squeeze %dma_wait3A_20 : memref<1x79x128xi32, #tpu.memory_space<hbm>> -> memref<79x128xi32, #tpu.memory_space<hbm>>
      %dma_wait3A_22 = arith.constant 0 : i32
      %dma_wait3A_23 = arith.constant 0 : i32
      %dma_wait3A_24 = tpu.memref_slice %arg3[%add3A, %dma_wait3A_22, %dma_wait3A_23] : memref<32x79x128xi32, #tpu.memory_space<hbm>> -> memref<1x79x128xi32, #tpu.memory_space<hbm>>
      %dma_wait3A_25 = tpu.memref_squeeze %dma_wait3A_24 : memref<1x79x128xi32, #tpu.memory_space<hbm>> -> memref<79x128xi32, #tpu.memory_space<hbm>>
      tpu.wait_dma2 semaphore(%run_scoped3A : memref<!tpu.dma_semaphore, #tpu.memory_space<semaphore_mem>>) src(%dma_wait3A_25 : memref<79x128xi32, #tpu.memory_space<hbm>>) dst(%arg7 : memref<79x128xi32, #tpu.memory_space<vmem>>)
      tpu.yield
    }) : () -> ()
    "tpu.region"() ({
      %run_scoped3A = tpu.sem_alloc : memref<!tpu.dma_semaphore, #tpu.memory_space<semaphore_mem>>
      %dma_start3A = arith.constant 0 : i32
      %dma_start3A_12 = arith.constant 0 : i32
      %dma_start3A_13 = tpu.memref_slice %arg4[%add3A, %dma_start3A, %dma_start3A_12] : memref<32x79x128xi32, #tpu.memory_space<hbm>> -> memref<1x79x128xi32, #tpu.memory_space<hbm>>
      %dma_start3A_14 = tpu.memref_squeeze %dma_start3A_13 : memref<1x79x128xi32, #tpu.memory_space<hbm>> -> memref<79x128xi32, #tpu.memory_space<hbm>>
      %dma_start3A_15 = arith.constant 0 : i32
      %dma_start3A_16 = arith.constant 0 : i32
      %dma_start3A_17 = tpu.memref_slice %arg4[%add3A, %dma_start3A_15, %dma_start3A_16] : memref<32x79x128xi32, #tpu.memory_space<hbm>> -> memref<1x79x128xi32, #tpu.memory_space<hbm>>
      %dma_start3A_18 = tpu.memref_squeeze %dma_start3A_17 : memref<1x79x128xi32, #tpu.memory_space<hbm>> -> memref<79x128xi32, #tpu.memory_space<hbm>>
      tpu.enqueue_dma source(%dma_start3A_18 : memref<79x128xi32, #tpu.memory_space<hbm>>) target(%arg8 : memref<79x128xi32, #tpu.memory_space<vmem>>) target_semaphore(%run_scoped3A : memref<!tpu.dma_semaphore, #tpu.memory_space<semaphore_mem>>)
      %dma_wait3A = arith.constant 0 : i32
      %dma_wait3A_19 = arith.constant 0 : i32
      %dma_wait3A_20 = tpu.memref_slice %arg4[%add3A, %dma_wait3A, %dma_wait3A_19] : memref<32x79x128xi32, #tpu.memory_space<hbm>> -> memref<1x79x128xi32, #tpu.memory_space<hbm>>
      %dma_wait3A_21 = tpu.memref_squeeze %dma_wait3A_20 : memref<1x79x128xi32, #tpu.memory_space<hbm>> -> memref<79x128xi32, #tpu.memory_space<hbm>>
      %dma_wait3A_22 = arith.constant 0 : i32
      %dma_wait3A_23 = arith.constant 0 : i32
      %dma_wait3A_24 = tpu.memref_slice %arg4[%add3A, %dma_wait3A_22, %dma_wait3A_23] : memref<32x79x128xi32, #tpu.memory_space<hbm>> -> memref<1x79x128xi32, #tpu.memory_space<hbm>>
      %dma_wait3A_25 = tpu.memref_squeeze %dma_wait3A_24 : memref<1x79x128xi32, #tpu.memory_space<hbm>> -> memref<79x128xi32, #tpu.memory_space<hbm>>
      tpu.wait_dma2 semaphore(%run_scoped3A : memref<!tpu.dma_semaphore, #tpu.memory_space<semaphore_mem>>) src(%dma_wait3A_25 : memref<79x128xi32, #tpu.memory_space<hbm>>) dst(%arg8 : memref<79x128xi32, #tpu.memory_space<vmem>>)
      tpu.yield
    }) : () -> ()
    %mul3A_1 = arith.constant 640 : i32
    %mul3A_2 = arith.muli %arg1, %mul3A_1 : i32
    "tpu.region"() ({
      %run_scoped3A = tpu.sem_alloc : memref<!tpu.dma_semaphore, #tpu.memory_space<semaphore_mem>>
      %dma_start3A = arith.constant 0 : i32
      %dma_start3A_12 = tpu.memref_slice %arg10[%mul3A_2, %dma_start3A] : memref<10240x128xf32, #tpu.memory_space<vmem_shared>> -> memref<640x128xf32, #tpu.memory_space<vmem_shared>>
      tpu.enqueue_dma source(%arg5 : memref<640x128xf32, #tpu.memory_space<hbm>>) target(%dma_start3A_12 : memref<640x128xf32, #tpu.memory_space<vmem_shared>>) target_semaphore(%run_scoped3A : memref<!tpu.dma_semaphore, #tpu.memory_space<semaphore_mem>>)
      %dma_wait3A = arith.constant 0 : i32
      %dma_wait3A_13 = tpu.memref_slice %arg10[%mul3A_2, %dma_wait3A] : memref<10240x128xf32, #tpu.memory_space<vmem_shared>> -> memref<640x128xf32, #tpu.memory_space<vmem_shared>>
      tpu.wait_dma2 semaphore(%run_scoped3A : memref<!tpu.dma_semaphore, #tpu.memory_space<semaphore_mem>>) src(%arg5 : memref<640x128xf32, #tpu.memory_space<hbm>>) dst(%dma_wait3A_13 : memref<640x128xf32, #tpu.memory_space<vmem_shared>>)
      tpu.yield
    }) : () -> ()
    %barrier3A = arith.constant 0 : index
    tpu.barrier barrier_id(%barrier3A)
    %scan3A = arith.constant 0 : i32
    %scan3A_3 = arith.constant 79 : i32
    %scan3A_4 = arith.addi %scan3A, %scan3A_3 : i32
    %scan3A_5 = arith.constant 1 : i32
    scf.for %scan3A_12 = %scan3A to %scan3A_4 step %scan3A_5  : i32 {
      %mul3A_13 = arith.constant 1 : i32
      %mul3A_14 = arith.muli %scan3A_12, %mul3A_13 : i32
      %add3A_15 = arith.constant 0 : i32
      %add3A_16 = arith.addi %add3A_15, %mul3A_14 : i32
      %dma_start3A = arith.constant 0 : i32
      %dma_start3A_17 = tpu.memref_slice %arg7[%add3A_16, %dma_start3A] : memref<79x128xi32, #tpu.memory_space<vmem>> -> memref<1x128xi32, #tpu.memory_space<vmem>>
      %dma_start3A_18 = tpu.memref_squeeze %dma_start3A_17 : memref<1x128xi32, #tpu.memory_space<vmem>> -> memref<128xi32, #tpu.memory_space<vmem>>
      %dma_start3A_19 = arith.constant 0 : i32
      %dma_start3A_20 = arith.constant 0 : i32
      %dma_start3A_21 = tpu.memref_slice %arg2[%dma_start3A_19, %dma_start3A_20] : memref<10000x128xf32, #tpu.memory_space<hbm>> -> memref<10000x128xf32, #tpu.memory_space<hbm>>
      tpu.enqueue_indirect_dma source(%dma_start3A_21 : memref<10000x128xf32, #tpu.memory_space<hbm>>) target(%arg9 : memref<128x128xf32, #tpu.memory_space<vmem>>) offsets(%dma_start3A_18 : memref<128xi32, #tpu.memory_space<vmem>>) semaphore(%arg11 : memref<!tpu.dma_semaphore, #tpu.memory_space<semaphore_mem>>)
      %dma_wait3A = arith.constant 0 : i32
      %dma_wait3A_22 = tpu.memref_slice %arg7[%add3A_16, %dma_wait3A] : memref<79x128xi32, #tpu.memory_space<vmem>> -> memref<1x128xi32, #tpu.memory_space<vmem>>
      %dma_wait3A_23 = tpu.memref_squeeze %dma_wait3A_22 : memref<1x128xi32, #tpu.memory_space<vmem>> -> memref<128xi32, #tpu.memory_space<vmem>>
      %dma_wait3A_24 = arith.constant 0 : i32
      %dma_wait3A_25 = arith.constant 0 : i32
      %dma_wait3A_26 = tpu.memref_slice %arg2[%dma_wait3A_24, %dma_wait3A_25] : memref<10000x128xf32, #tpu.memory_space<hbm>> -> memref<10000x128xf32, #tpu.memory_space<hbm>>
      tpu.wait_indirect_dma semaphore(%arg11 : memref<!tpu.dma_semaphore, #tpu.memory_space<semaphore_mem>>) src(%dma_wait3A_26 : memref<10000x128xf32, #tpu.memory_space<hbm>>) dst(%arg9 : memref<128x128xf32, #tpu.memory_space<vmem>>)
      "tpu.region"() ({
        %run_scoped3A = tpu.sem_alloc : memref<!tpu.dma_semaphore, #tpu.memory_space<semaphore_mem>>
        %dma_start3A_27 = arith.constant 0 : i32
        %dma_start3A_28 = tpu.memref_slice %arg8[%add3A_16, %dma_start3A_27] : memref<79x128xi32, #tpu.memory_space<vmem>> -> memref<1x128xi32, #tpu.memory_space<vmem>>
        %dma_start3A_29 = tpu.memref_squeeze %dma_start3A_28 : memref<1x128xi32, #tpu.memory_space<vmem>> -> memref<128xi32, #tpu.memory_space<vmem>>
        %dma_start3A_30 = arith.constant 0 : i32
        %dma_start3A_31 = arith.constant 0 : i32
        %dma_start3A_32 = tpu.memref_slice %arg10[%dma_start3A_30, %dma_start3A_31] : memref<10240x128xf32, #tpu.memory_space<vmem_shared>> -> memref<10240x128xf32, #tpu.memory_space<vmem_shared>>
        tpu.enqueue_indirect_dma source(%arg9 : memref<128x128xf32, #tpu.memory_space<vmem>>) target(%dma_start3A_32 : memref<10240x128xf32, #tpu.memory_space<vmem_shared>>) offsets(%dma_start3A_29 : memref<128xi32, #tpu.memory_space<vmem>>) semaphore(%run_scoped3A : memref<!tpu.dma_semaphore, #tpu.memory_space<semaphore_mem>>) {add = true}
        %dma_wait3A_33 = arith.constant 0 : i32
        %dma_wait3A_34 = tpu.memref_slice %arg8[%add3A_16, %dma_wait3A_33] : memref<79x128xi32, #tpu.memory_space<vmem>> -> memref<1x128xi32, #tpu.memory_space<vmem>>
        %dma_wait3A_35 = tpu.memref_squeeze %dma_wait3A_34 : memref<1x128xi32, #tpu.memory_space<vmem>> -> memref<128xi32, #tpu.memory_space<vmem>>
        %dma_wait3A_36 = arith.constant 0 : i32
        %dma_wait3A_37 = arith.constant 0 : i32
        %dma_wait3A_38 = tpu.memref_slice %arg10[%dma_wait3A_36, %dma_wait3A_37] : memref<10240x128xf32, #tpu.memory_space<vmem_shared>> -> memref<10240x128xf32, #tpu.memory_space<vmem_shared>>
        tpu.wait_indirect_dma semaphore(%run_scoped3A : memref<!tpu.dma_semaphore, #tpu.memory_space<semaphore_mem>>) src(%arg9 : memref<128x128xf32, #tpu.memory_space<vmem>>) dst(%dma_wait3A_38 : memref<10240x128xf32, #tpu.memory_space<vmem_shared>>)
        tpu.yield
      }) : () -> ()
    }
    %scan3A_6 = arith.constant 79 : i32
    %barrier3A_7 = arith.constant 0 : index
    tpu.barrier barrier_id(%barrier3A_7)
    %mul3A_8 = arith.constant 640 : i32
    %mul3A_9 = arith.muli %arg1, %mul3A_8 : i32
    %mul3A_10 = arith.constant 640 : i32
    %mul3A_11 = arith.muli %arg1, %mul3A_10 : i32
    "tpu.region"() ({
      %run_scoped3A = tpu.sem_alloc : memref<!tpu.dma_semaphore, #tpu.memory_space<semaphore_mem>>
      %dma_start3A = arith.constant 0 : i32
      %dma_start3A_12 = arith.constant 0 : i32
      %dma_start3A_13 = tpu.memref_slice %arg6[%arg0, %dma_start3A, %dma_start3A_12] : memref<2x10240x128xf32, #tpu.memory_space<hbm>> -> memref<1x10240x128xf32, #tpu.memory_space<hbm>>
      %dma_start3A_14 = tpu.memref_squeeze %dma_start3A_13 : memref<1x10240x128xf32, #tpu.memory_space<hbm>> -> memref<10240x128xf32, #tpu.memory_space<hbm>>
      %dma_start3A_15 = arith.constant 0 : i32
      %dma_start3A_16 = tpu.memref_slice %dma_start3A_14[%mul3A_11, %dma_start3A_15] : memref<10240x128xf32, #tpu.memory_space<hbm>> -> memref<640x128xf32, #tpu.memory_space<hbm>>
      %dma_start3A_17 = arith.constant 0 : i32
      %dma_start3A_18 = tpu.memref_slice %arg10[%mul3A_9, %dma_start3A_17] : memref<10240x128xf32, #tpu.memory_space<vmem_shared>> -> memref<640x128xf32, #tpu.memory_space<vmem_shared>>
      tpu.enqueue_dma source(%dma_start3A_18 : memref<640x128xf32, #tpu.memory_space<vmem_shared>>) target(%dma_start3A_16 : memref<640x128xf32, #tpu.memory_space<hbm>>) target_semaphore(%run_scoped3A : memref<!tpu.dma_semaphore, #tpu.memory_space<semaphore_mem>>)
      %dma_wait3A = arith.constant 0 : i32
      %dma_wait3A_19 = arith.constant 0 : i32
      %dma_wait3A_20 = tpu.memref_slice %arg6[%arg0, %dma_wait3A, %dma_wait3A_19] : memref<2x10240x128xf32, #tpu.memory_space<hbm>> -> memref<1x10240x128xf32, #tpu.memory_space<hbm>>
      %dma_wait3A_21 = tpu.memref_squeeze %dma_wait3A_20 : memref<1x10240x128xf32, #tpu.memory_space<hbm>> -> memref<10240x128xf32, #tpu.memory_space<hbm>>
      %dma_wait3A_22 = arith.constant 0 : i32
      %dma_wait3A_23 = tpu.memref_slice %dma_wait3A_21[%mul3A_11, %dma_wait3A_22] : memref<10240x128xf32, #tpu.memory_space<hbm>> -> memref<640x128xf32, #tpu.memory_space<hbm>>
      %dma_wait3A_24 = arith.constant 0 : i32
      %dma_wait3A_25 = tpu.memref_slice %arg10[%mul3A_9, %dma_wait3A_24] : memref<10240x128xf32, #tpu.memory_space<vmem_shared>> -> memref<640x128xf32, #tpu.memory_space<vmem_shared>>
      tpu.wait_dma2 semaphore(%run_scoped3A : memref<!tpu.dma_semaphore, #tpu.memory_space<semaphore_mem>>) src(%dma_wait3A_25 : memref<640x128xf32, #tpu.memory_space<vmem_shared>>) dst(%dma_wait3A_23 : memref<640x128xf32, #tpu.memory_space<hbm>>)
      tpu.yield
    }) : () -> ()
    return
  }
}

module attributes {stable_mosaic.version = 14 : i64} {
  func.func @body(%arg0: i32, %arg1: memref<2000x128xf32, #tpu.memory_space<vmem>>, %arg2: memref<128x128xf32, #tpu.memory_space<vmem>>, %arg3: memref<2000x1xf32, #tpu.memory_space<vmem>>, %arg4: memref<2000x1xf32, #tpu.memory_space<vmem>>, %arg5: memref<2000x128xf32, #tpu.memory_space<vmem>>) attributes {dimension_semantics = [#tpu.dimension_semantics<arbitrary>], iteration_bounds = array<i64: 5>, scalar_prefetch = 0 : i64, scratch_operands = 0 : i64, tpu.core_type = #tpu.core_type<tc>, window_params = [{transform_indices = @transform_0, window_bounds = array<i64: 2000, 128>}, {pipeline_mode = #tpu.pipeline_mode<synchronous>, transform_indices = @transform_1, window_bounds = array<i64: 128, 128>}, {transform_indices = @transform_2, window_bounds = array<i64: 2000, 1>}, {transform_indices = @transform_3, window_bounds = array<i64: 2000, 1>}, {transform_indices = @transform_4, window_bounds = array<i64: 2000, 128>}]} {
    %get3A = arith.constant 0 : index
    %get3A_0 = arith.constant 0 : index
    %get3A_1 = vector.load %arg3[%get3A, %get3A_0] : memref<2000x1xf32, #tpu.memory_space<vmem>>, vector<2000x1xf32>
    %get3A_2 = arith.constant 0 : index
    %get3A_3 = arith.constant 0 : index
    %get3A_4 = vector.load %arg4[%get3A_2, %get3A_3] : memref<2000x1xf32, #tpu.memory_space<vmem>>, vector<2000x1xf32>
    %add3A = arith.addf %get3A_1, %get3A_4 : vector<2000x1xf32>
    %add3A_5 = arith.constant 1.000000e+00 : f32
    %add3A_6 = vector.broadcast %add3A_5 : f32 to vector<2000x1xf32>
    %add3A_7 = arith.addf %add3A, %add3A_6 : vector<2000x1xf32>
    %rsqrt3A = math.rsqrt %add3A_7 : vector<2000x1xf32>
    %get3A_8 = arith.constant 0 : index
    %get3A_9 = arith.constant 0 : index
    %get3A_10 = vector.load %arg1[%get3A_8, %get3A_9] : memref<2000x128xf32, #tpu.memory_space<vmem>>, vector<2000x128xf32>
    %get3A_11 = arith.constant 0 : index
    %get3A_12 = arith.constant 0 : index
    %get3A_13 = vector.load %arg2[%get3A_11, %get3A_12] : memref<128x128xf32, #tpu.memory_space<vmem>>, vector<128x128xf32>
    %dot_general3A = arith.constant dense<0.000000e+00> : vector<2000x128xf32>
    %dot_general3A_14 = tpu.matmul %get3A_10, %get3A_13, %dot_general3A {dimension_numbers = #tpu.dot_dimension_numbers<[1], [0], [0], [1], [0, 0, 1, 1], [], []>, transpose_lhs_hint = false} : vector<2000x128xf32>, vector<128x128xf32>, vector<2000x128xf32> -> vector<2000x128xf32>
    %mul3A = vector.broadcast %rsqrt3A : vector<2000x1xf32> to vector<2000x128xf32>
    %mul3A_15 = arith.mulf %dot_general3A_14, %mul3A : vector<2000x128xf32>
    %swap3A = arith.constant 0 : index
    %swap3A_16 = arith.constant 0 : index
    %swap3A_17 = vector.load %arg5[%swap3A, %swap3A_16] : memref<2000x128xf32, #tpu.memory_space<vmem>>, vector<2000x128xf32>
    tpu.vector_store %arg5[%swap3A, %swap3A_16], %mul3A_15 {strides = array<i32>} : memref<2000x128xf32, #tpu.memory_space<vmem>>, vector<2000x128xf32>,
    return
  }
  func.func @transform_0(%arg0: i32) -> (i32, i32) {
    %c0_i32 = arith.constant 0 : i32
    %c0_i32_0 = arith.constant 0 : i32
    return %arg0, %c0_i32 : i32, i32
  }
  func.func @transform_1(%arg0: i32) -> (i32, i32) {
    %c0_i32 = arith.constant 0 : i32
    %c0_i32_0 = arith.constant 0 : i32
    %c0_i32_1 = arith.constant 0 : i32
    return %c0_i32, %c0_i32_0 : i32, i32
  }
  func.func @transform_2(%arg0: i32) -> (i32, i32) {
    %c0_i32 = arith.constant 0 : i32
    %c0_i32_0 = arith.constant 0 : i32
    return %arg0, %c0_i32 : i32, i32
  }
  func.func @transform_3(%arg0: i32) -> (i32, i32) {
    %c0_i32 = arith.constant 0 : i32
    %c0_i32_0 = arith.constant 0 : i32
    return %arg0, %c0_i32 : i32, i32
  }
  func.func @transform_4(%arg0: i32) -> (i32, i32) {
    %c0_i32 = arith.constant 0 : i32
    %c0_i32_0 = arith.constant 0 : i32
    return %arg0, %c0_i32 : i32, i32
  }
}

module attributes {stable_mosaic.version = 14 : i64} {
  func.func @body(%arg0: i32, %arg1: memref<2000x128xf32, #tpu.memory_space<vmem>>, %arg2: memref<2000x128xf32, #tpu.memory_space<vmem>>, %arg3: memref<2000x128xf32, #tpu.memory_space<vmem>>, %arg4: memref<2000x1xf32, #tpu.memory_space<vmem>>, %arg5: memref<2000x1xf32, #tpu.memory_space<vmem>>, %arg6: memref<1x128xf32, #tpu.memory_space<vmem>>, %arg7: memref<128x128xf32, #tpu.memory_space<vmem>>, %arg8: memref<1x128xf32, #tpu.memory_space<vmem>>, %arg9: memref<128x128xf32, #tpu.memory_space<vmem>>, %arg10: memref<2000x128xf32, #tpu.memory_space<vmem>>) attributes {dimension_semantics = [#tpu.dimension_semantics<arbitrary>], iteration_bounds = array<i64: 5>, scalar_prefetch = 0 : i64, scratch_operands = 0 : i64, tpu.core_type = #tpu.core_type<tc>, window_params = [{transform_indices = @transform_0, window_bounds = array<i64: 2000, 128>}, {transform_indices = @transform_1, window_bounds = array<i64: 2000, 128>}, {transform_indices = @transform_2, window_bounds = array<i64: 2000, 128>}, {transform_indices = @transform_3, window_bounds = array<i64: 2000, 1>}, {transform_indices = @transform_4, window_bounds = array<i64: 2000, 1>}, {pipeline_mode = #tpu.pipeline_mode<synchronous>, transform_indices = @transform_5, window_bounds = array<i64: 1, 128>}, {pipeline_mode = #tpu.pipeline_mode<synchronous>, transform_indices = @transform_6, window_bounds = array<i64: 128, 128>}, {pipeline_mode = #tpu.pipeline_mode<synchronous>, transform_indices = @transform_7, window_bounds = array<i64: 1, 128>}, {pipeline_mode = #tpu.pipeline_mode<synchronous>, transform_indices = @transform_8, window_bounds = array<i64: 128, 128>}, {transform_indices = @transform_9, window_bounds = array<i64: 2000, 128>}]} {
    %get3A = arith.constant 0 : index
    %get3A_0 = arith.constant 0 : index
    %get3A_1 = vector.load %arg4[%get3A, %get3A_0] : memref<2000x1xf32, #tpu.memory_space<vmem>>, vector<2000x1xf32>
    %get3A_2 = arith.constant 0 : index
    %get3A_3 = arith.constant 0 : index
    %get3A_4 = vector.load %arg5[%get3A_2, %get3A_3] : memref<2000x1xf32, #tpu.memory_space<vmem>>, vector<2000x1xf32>
    %add3A = arith.addf %get3A_1, %get3A_4 : vector<2000x1xf32>
    %add3A_5 = arith.constant 1.000000e+00 : f32
    %add3A_6 = vector.broadcast %add3A_5 : f32 to vector<2000x1xf32>
    %add3A_7 = arith.addf %add3A, %add3A_6 : vector<2000x1xf32>
    %rsqrt3A = math.rsqrt %add3A_7 : vector<2000x1xf32>
    %get3A_8 = arith.constant 0 : index
    %get3A_9 = arith.constant 0 : index
    %get3A_10 = vector.load %arg1[%get3A_8, %get3A_9] : memref<2000x128xf32, #tpu.memory_space<vmem>>, vector<2000x128xf32>
    %get3A_11 = arith.constant 0 : index
    %get3A_12 = arith.constant 0 : index
    %get3A_13 = vector.load %arg2[%get3A_11, %get3A_12] : memref<2000x128xf32, #tpu.memory_space<vmem>>, vector<2000x128xf32>
    %add3A_14 = arith.addf %get3A_10, %get3A_13 : vector<2000x128xf32>
    %get3A_15 = arith.constant 0 : index
    %get3A_16 = arith.constant 0 : index
    %get3A_17 = vector.load %arg3[%get3A_15, %get3A_16] : memref<2000x128xf32, #tpu.memory_space<vmem>>, vector<2000x128xf32>
    %add3A_18 = arith.addf %add3A_14, %get3A_17 : vector<2000x128xf32>
    %mul3A = vector.broadcast %rsqrt3A : vector<2000x1xf32> to vector<2000x128xf32>
    %mul3A_19 = arith.mulf %mul3A, %add3A_18 : vector<2000x128xf32>
    %get3A_20 = arith.constant 0 : index
    %get3A_21 = arith.constant 0 : index
    %get3A_22 = vector.load %arg6[%get3A_20, %get3A_21] : memref<1x128xf32, #tpu.memory_space<vmem>>, vector<1x128xf32>
    %add3A_23 = vector.broadcast %get3A_22 : vector<1x128xf32> to vector<2000x128xf32>
    %add3A_24 = arith.addf %mul3A_19, %add3A_23 : vector<2000x128xf32>
    %max3A = arith.constant 0.000000e+00 : f32
    %max3A_25 = vector.broadcast %max3A : f32 to vector<2000x128xf32>
    %max3A_26 = arith.maximumf %add3A_24, %max3A_25 : vector<2000x128xf32>
    %get3A_27 = arith.constant 0 : index
    %get3A_28 = arith.constant 0 : index
    %get3A_29 = vector.load %arg7[%get3A_27, %get3A_28] : memref<128x128xf32, #tpu.memory_space<vmem>>, vector<128x128xf32>
    %dot_general3A = arith.constant dense<0.000000e+00> : vector<2000x128xf32>
    %dot_general3A_30 = tpu.matmul %max3A_26, %get3A_29, %dot_general3A {dimension_numbers = #tpu.dot_dimension_numbers<[1], [0], [0], [1], [0, 0, 1, 1], [], []>, transpose_lhs_hint = false} : vector<2000x128xf32>, vector<128x128xf32>, vector<2000x128xf32> -> vector<2000x128xf32>
    %get3A_31 = arith.constant 0 : index
    %get3A_32 = arith.constant 0 : index
    %get3A_33 = vector.load %arg8[%get3A_31, %get3A_32] : memref<1x128xf32, #tpu.memory_space<vmem>>, vector<1x128xf32>
    %add3A_34 = vector.broadcast %get3A_33 : vector<1x128xf32> to vector<2000x128xf32>
    %add3A_35 = arith.addf %dot_general3A_30, %add3A_34 : vector<2000x128xf32>
    %get3A_36 = arith.constant 0 : index
    %get3A_37 = arith.constant 0 : index
    %get3A_38 = vector.load %arg9[%get3A_36, %get3A_37] : memref<128x128xf32, #tpu.memory_space<vmem>>, vector<128x128xf32>
    %dot_general3A_39 = arith.constant dense<0.000000e+00> : vector<2000x128xf32>
    %dot_general3A_40 = tpu.matmul %add3A_35, %get3A_38, %dot_general3A_39 {dimension_numbers = #tpu.dot_dimension_numbers<[1], [0], [0], [1], [0, 0, 1, 1], [], []>, transpose_lhs_hint = false} : vector<2000x128xf32>, vector<128x128xf32>, vector<2000x128xf32> -> vector<2000x128xf32>
    %mul3A_41 = vector.broadcast %rsqrt3A : vector<2000x1xf32> to vector<2000x128xf32>
    %mul3A_42 = arith.mulf %dot_general3A_40, %mul3A_41 : vector<2000x128xf32>
    %swap3A = arith.constant 0 : index
    %swap3A_43 = arith.constant 0 : index
    %swap3A_44 = vector.load %arg10[%swap3A, %swap3A_43] : memref<2000x128xf32, #tpu.memory_space<vmem>>, vector<2000x128xf32>
    tpu.vector_store %arg10[%swap3A, %swap3A_43], %mul3A_42 {strides = array<i32>} : memref<2000x128xf32, #tpu.memory_space<vmem>>, vector<2000x128xf32>,
    return
  }
  func.func @transform_0(%arg0: i32) -> (i32, i32) {
    %c0_i32 = arith.constant 0 : i32
    %c0_i32_0 = arith.constant 0 : i32
    return %arg0, %c0_i32 : i32, i32
  }
  func.func @transform_1(%arg0: i32) -> (i32, i32) {
    %c0_i32 = arith.constant 0 : i32
    %c0_i32_0 = arith.constant 0 : i32
    return %arg0, %c0_i32 : i32, i32
  }
  func.func @transform_2(%arg0: i32) -> (i32, i32) {
    %c0_i32 = arith.constant 0 : i32
    %c0_i32_0 = arith.constant 0 : i32
    return %arg0, %c0_i32 : i32, i32
  }
  func.func @transform_3(%arg0: i32) -> (i32, i32) {
    %c0_i32 = arith.constant 0 : i32
    %c0_i32_0 = arith.constant 0 : i32
    return %arg0, %c0_i32 : i32, i32
  }
  func.func @transform_4(%arg0: i32) -> (i32, i32) {
    %c0_i32 = arith.constant 0 : i32
    %c0_i32_0 = arith.constant 0 : i32
    return %arg0, %c0_i32 : i32, i32
  }
  func.func @transform_5(%arg0: i32) -> (i32, i32) {
    %c0_i32 = arith.constant 0 : i32
    %c0_i32_0 = arith.constant 0 : i32
    %c0_i32_1 = arith.constant 0 : i32
    return %c0_i32, %c0_i32_0 : i32, i32
  }
  func.func @transform_6(%arg0: i32) -> (i32, i32) {
    %c0_i32 = arith.constant 0 : i32
    %c0_i32_0 = arith.constant 0 : i32
    %c0_i32_1 = arith.constant 0 : i32
    return %c0_i32, %c0_i32_0 : i32, i32
  }
  func.func @transform_7(%arg0: i32) -> (i32, i32) {
    %c0_i32 = arith.constant 0 : i32
    %c0_i32_0 = arith.constant 0 : i32
    %c0_i32_1 = arith.constant 0 : i32
    return %c0_i32, %c0_i32_0 : i32, i32
  }
  func.func @transform_8(%arg0: i32) -> (i32, i32) {
    %c0_i32 = arith.constant 0 : i32
    %c0_i32_0 = arith.constant 0 : i32
    %c0_i32_1 = arith.constant 0 : i32
    return %c0_i32, %c0_i32_0 : i32, i32
  }
  func.func @transform_9(%arg0: i32) -> (i32, i32) {
    %c0_i32 = arith.constant 0 : i32
    %c0_i32_0 = arith.constant 0 : i32
    return %arg0, %c0_i32 : i32, i32
  }
}

module attributes {stable_mosaic.version = 14 : i64} {
  func.func @body(%arg0: i32, %arg1: memref<2000x128xf32, #tpu.memory_space<vmem>>, %arg2: memref<2000x128xf32, #tpu.memory_space<vmem>>, %arg3: memref<2000x128xf32, #tpu.memory_space<vmem>>, %arg4: memref<2000x1xf32, #tpu.memory_space<vmem>>, %arg5: memref<2000x1xf32, #tpu.memory_space<vmem>>, %arg6: memref<1x128xf32, #tpu.memory_space<vmem>>, %arg7: memref<128x128xf32, #tpu.memory_space<vmem>>, %arg8: memref<1x128xf32, #tpu.memory_space<vmem>>, %arg9: memref<2000x128xf32, #tpu.memory_space<vmem>>) attributes {dimension_semantics = [#tpu.dimension_semantics<arbitrary>], iteration_bounds = array<i64: 5>, scalar_prefetch = 0 : i64, scratch_operands = 0 : i64, tpu.core_type = #tpu.core_type<tc>, window_params = [{transform_indices = @transform_0, window_bounds = array<i64: 2000, 128>}, {transform_indices = @transform_1, window_bounds = array<i64: 2000, 128>}, {transform_indices = @transform_2, window_bounds = array<i64: 2000, 128>}, {transform_indices = @transform_3, window_bounds = array<i64: 2000, 1>}, {transform_indices = @transform_4, window_bounds = array<i64: 2000, 1>}, {pipeline_mode = #tpu.pipeline_mode<synchronous>, transform_indices = @transform_5, window_bounds = array<i64: 1, 128>}, {pipeline_mode = #tpu.pipeline_mode<synchronous>, transform_indices = @transform_6, window_bounds = array<i64: 128, 128>}, {pipeline_mode = #tpu.pipeline_mode<synchronous>, transform_indices = @transform_7, window_bounds = array<i64: 1, 128>}, {transform_indices = @transform_8, window_bounds = array<i64: 2000, 128>}]} {
    %get3A = arith.constant 0 : index
    %get3A_0 = arith.constant 0 : index
    %get3A_1 = vector.load %arg4[%get3A, %get3A_0] : memref<2000x1xf32, #tpu.memory_space<vmem>>, vector<2000x1xf32>
    %get3A_2 = arith.constant 0 : index
    %get3A_3 = arith.constant 0 : index
    %get3A_4 = vector.load %arg5[%get3A_2, %get3A_3] : memref<2000x1xf32, #tpu.memory_space<vmem>>, vector<2000x1xf32>
    %add3A = arith.addf %get3A_1, %get3A_4 : vector<2000x1xf32>
    %add3A_5 = arith.constant 1.000000e+00 : f32
    %add3A_6 = vector.broadcast %add3A_5 : f32 to vector<2000x1xf32>
    %add3A_7 = arith.addf %add3A, %add3A_6 : vector<2000x1xf32>
    %rsqrt3A = math.rsqrt %add3A_7 : vector<2000x1xf32>
    %get3A_8 = arith.constant 0 : index
    %get3A_9 = arith.constant 0 : index
    %get3A_10 = vector.load %arg1[%get3A_8, %get3A_9] : memref<2000x128xf32, #tpu.memory_space<vmem>>, vector<2000x128xf32>
    %get3A_11 = arith.constant 0 : index
    %get3A_12 = arith.constant 0 : index
    %get3A_13 = vector.load %arg2[%get3A_11, %get3A_12] : memref<2000x128xf32, #tpu.memory_space<vmem>>, vector<2000x128xf32>
    %add3A_14 = arith.addf %get3A_10, %get3A_13 : vector<2000x128xf32>
    %get3A_15 = arith.constant 0 : index
    %get3A_16 = arith.constant 0 : index
    %get3A_17 = vector.load %arg3[%get3A_15, %get3A_16] : memref<2000x128xf32, #tpu.memory_space<vmem>>, vector<2000x128xf32>
    %add3A_18 = arith.addf %add3A_14, %get3A_17 : vector<2000x128xf32>
    %mul3A = vector.broadcast %rsqrt3A : vector<2000x1xf32> to vector<2000x128xf32>
    %mul3A_19 = arith.mulf %mul3A, %add3A_18 : vector<2000x128xf32>
    %get3A_20 = arith.constant 0 : index
    %get3A_21 = arith.constant 0 : index
    %get3A_22 = vector.load %arg6[%get3A_20, %get3A_21] : memref<1x128xf32, #tpu.memory_space<vmem>>, vector<1x128xf32>
    %add3A_23 = vector.broadcast %get3A_22 : vector<1x128xf32> to vector<2000x128xf32>
    %add3A_24 = arith.addf %mul3A_19, %add3A_23 : vector<2000x128xf32>
    %max3A = arith.constant 0.000000e+00 : f32
    %max3A_25 = vector.broadcast %max3A : f32 to vector<2000x128xf32>
    %max3A_26 = arith.maximumf %add3A_24, %max3A_25 : vector<2000x128xf32>
    %get3A_27 = arith.constant 0 : index
    %get3A_28 = arith.constant 0 : index
    %get3A_29 = vector.load %arg7[%get3A_27, %get3A_28] : memref<128x128xf32, #tpu.memory_space<vmem>>, vector<128x128xf32>
    %dot_general3A = arith.constant dense<0.000000e+00> : vector<2000x128xf32>
    %dot_general3A_30 = tpu.matmul %max3A_26, %get3A_29, %dot_general3A {dimension_numbers = #tpu.dot_dimension_numbers<[1], [0], [0], [1], [0, 0, 1, 1], [], []>, transpose_lhs_hint = false} : vector<2000x128xf32>, vector<128x128xf32>, vector<2000x128xf32> -> vector<2000x128xf32>
    %get3A_31 = arith.constant 0 : index
    %get3A_32 = arith.constant 0 : index
    %get3A_33 = vector.load %arg8[%get3A_31, %get3A_32] : memref<1x128xf32, #tpu.memory_space<vmem>>, vector<1x128xf32>
    %add3A_34 = vector.broadcast %get3A_33 : vector<1x128xf32> to vector<2000x128xf32>
    %add3A_35 = arith.addf %dot_general3A_30, %add3A_34 : vector<2000x128xf32>
    %swap3A = arith.constant 0 : index
    %swap3A_36 = arith.constant 0 : index
    %swap3A_37 = vector.load %arg9[%swap3A, %swap3A_36] : memref<2000x128xf32, #tpu.memory_space<vmem>>, vector<2000x128xf32>
    tpu.vector_store %arg9[%swap3A, %swap3A_36], %add3A_35 {strides = array<i32>} : memref<2000x128xf32, #tpu.memory_space<vmem>>, vector<2000x128xf32>,
    return
  }
  func.func @transform_0(%arg0: i32) -> (i32, i32) {
    %c0_i32 = arith.constant 0 : i32
    %c0_i32_0 = arith.constant 0 : i32
    return %arg0, %c0_i32 : i32, i32
  }
  func.func @transform_1(%arg0: i32) -> (i32, i32) {
    %c0_i32 = arith.constant 0 : i32
    %c0_i32_0 = arith.constant 0 : i32
    return %arg0, %c0_i32 : i32, i32
  }
  func.func @transform_2(%arg0: i32) -> (i32, i32) {
    %c0_i32 = arith.constant 0 : i32
    %c0_i32_0 = arith.constant 0 : i32
    return %arg0, %c0_i32 : i32, i32
  }
  func.func @transform_3(%arg0: i32) -> (i32, i32) {
    %c0_i32 = arith.constant 0 : i32
    %c0_i32_0 = arith.constant 0 : i32
    return %arg0, %c0_i32 : i32, i32
  }
  func.func @transform_4(%arg0: i32) -> (i32, i32) {
    %c0_i32 = arith.constant 0 : i32
    %c0_i32_0 = arith.constant 0 : i32
    return %arg0, %c0_i32 : i32, i32
  }
  func.func @transform_5(%arg0: i32) -> (i32, i32) {
    %c0_i32 = arith.constant 0 : i32
    %c0_i32_0 = arith.constant 0 : i32
    %c0_i32_1 = arith.constant 0 : i32
    return %c0_i32, %c0_i32_0 : i32, i32
  }
  func.func @transform_6(%arg0: i32) -> (i32, i32) {
    %c0_i32 = arith.constant 0 : i32
    %c0_i32_0 = arith.constant 0 : i32
    %c0_i32_1 = arith.constant 0 : i32
    return %c0_i32, %c0_i32_0 : i32, i32
  }
  func.func @transform_7(%arg0: i32) -> (i32, i32) {
    %c0_i32 = arith.constant 0 : i32
    %c0_i32_0 = arith.constant 0 : i32
    %c0_i32_1 = arith.constant 0 : i32
    return %c0_i32, %c0_i32_0 : i32, i32
  }
  func.func @transform_8(%arg0: i32) -> (i32, i32) {
    %c0_i32 = arith.constant 0 : i32
    %c0_i32_0 = arith.constant 0 : i32
    return %arg0, %c0_i32 : i32, i32
  }
}

</mosaic_0001>

<sc_bundles>
// kernel: kernel.11.cloned.1.call-start
scs
__scs_entry_jumppad:
0x0: {  	(pc) =	sbr.rel $0x88, $3  }
0x1: {  	(tag) =	ssettag $0x0;
	lr =	simm.s32 $0x1  }
0x2: {  	[smem:$0x3F97] =	sst lr;
	_ =	strace $0xD0000000  }
0x3: {  	_ = 	snop  }
0x4: {  	_ = 	snop  }
0x5: {  	_ = 	snop  }
0x6: {  	_ = 	snop  }
0x7: {  	_ = 	snop  }
__scs_overlays_trampoline_lowered:
0x8: {  	[smem:$0x3FA6] =	sst s0  }
0x9: {  	[smem:$0x3FA7] =	sst s1  }
0xa: {  	[smem:$0x3FA8] =	sst s2  }
0xb: {  	[smem:$0x3FA9] =	sst s3  }
0xc: {  	[smem:$0x3FAA] =	sst s4  }
0xd: {  	[smem:$0x3FAB] =	sst s5  }
0xe: {  	[smem:$0x3FAC] =	sst s6  }
0xf: {  	[smem:$0x3FAD] =	sst s7  }
0x10: {  	[smem:$0x3FAE] =	sst s8  }
0x11: {  	[smem:$0x3FAF] =	sst s9;
	s0 =	simm.s32 @!p0 $0x0  }
0x12: {  	s1 =	sld [smem:$0x3F95];
	s0 =	simm.s32 @p0 $0x1  }
0x13: {  	[smem:$0x3FB0] =	sst s0;
	s0 =	simm.s32 @!p1 $0x0  }
0x14: {  	s2 =	sld [smem:$0x3F94];
	s0 =	simm.s32 @p1 $0x1  }
0x15: {  	[smem:$0x3FB1] =	sst s0;
	s0 =	simm.s32 @!p2 $0x0  }
0x16: {  	s3 =	sld [smem:$0x3FDB];
	s0 =	simm.s32 @p2 $0x1  }
0x17: {  	s4 =	simm.s32 $0x1BF5;
	[smem:$0x3FB3] =	sst s0  }
0x18: {  	s0 =	sld [smem:$0x3F96];
	_ =	swait.ge [sflag:s4], $0x0  }
0x19: {  	s7 =	sld [smem:$0x3F97]  }
0x1a: {  	s8 =	sadd.s32 $0xFFFFE003, lr  }
0x1b: {  	s9 =	sadd.s32 $0xFFFFFEF7, lr;
	s5 =	simm.s32 $0xFFFFFFFF;
	p2 =	slt.u32 s8, $0xFFFFF086  }
0x1c: {  	p1 =	slt.u32 s9, $0xF7A;
	s5 =	simm.s32 @!p2 $0x0  }
0x1d: {  	s5 =	simm.s32 @p1 $0x1;
	p0 =	seq.s32 s7, s2  }
0x1e: {  	s7 =	smul.u32 @!p0 $0xF7A, s2;
	p2 =	seq.s32 @!p0 s5, $0x0  }
0x1f: {  	s9 =	smul.u32 $0xF7A, s1;
	s8 =	simm.s32 @!p0 $0x1BF5;
	p2 =	por !p2, p0  }
0x20: {  	[sflag:s8] =	ssyncset.s32 @!p0 $0xFFFFF086;
	s6 =	sadd.s32 @!p0 s3, s7;
	s7 =	simm.s32 @!p0 $0x108  }
0x21: {  	s3 =	sadd.s32 s3, s9;
	s6 =	sadd.s32 @!p0 $0x88, s6;
	s7 =	simm.s32 @p2 $0x1082  }
0x22: {  	[simem:s7], [sflag:s8] =	dma.local @!p0 [hbm:s6], $0xF7A  }
0x23: {  	s9 =	sor.u32 $0xD0000000, s2;
	s6 =	simm.s32 $0x108;
	_ =	swait.ge @!p0 [sflag:s8], $0x0  }
0x24: {  	s3 =	sadd.s32 $0x88, s3;
	s6 =	simm.s32 @!p1 $0x1082;
	[sflag:s4] =	ssyncset.s32 $0xFFFFF086  }
0x25: {  	[simem:s6], [sflag:s4] =	dma.local [hbm:s3], $0xF7A  }
0x26: {  	[smem:$0x3F97] =	sst s1;
	(tag) =	ssettag s2;
	_ =	strace s9  }
0x27: {  	s1 =	sld [smem:$0x3FA7]  }
0x28: {  	s2 =	sld [smem:$0x3FA8]  }
0x29: {  	s4 =	sld [smem:$0x3FAA]  }
0x2a: {  	p0 =	seq.s32 s5, $0x0;
	s5 =	sld [smem:$0x3FAB]  }
0x2b: {  	s6 =	sld [smem:$0x3FAC]  }
0x2c: {  	s7 =	sld [smem:$0x3FAD]  }
0x2d: {  	s3 =	simm.s32 $0x108;
	s8 =	sld [smem:$0x3FAE]  }
0x2e: {  	s3 =	simm.s32 @!p0 $0x1082;
	s9 =	sld [smem:$0x3FAF]  }
0x2f: {  	lr =	sadd.s32 s0, s3;
	s0 =	sld [smem:$0x3FA6]  }
0x30: {  	s3 =	sld [smem:$0x3FA9]  }
0x31: {  	[smem:$0x3FB2] =	sst s10  }
0x32: {  	s10 =	sld [smem:$0x3FB0];
	_ =	sdelay $0x3  }
0x33: {  	p0 =	seq.s32 s10, $0x1;
	s10 =	sld [smem:$0x3FB2];
	_ =	sdelay $0x3  }
0x34: {  	[smem:$0x3FB2] =	sst s10  }
0x35: {  	s10 =	sld [smem:$0x3FB1];
	_ =	sdelay $0x3  }
0x36: {  	p1 =	seq.s32 s10, $0x1;
	s10 =	sld [smem:$0x3FB2];
	_ =	sdelay $0x3  }
0x37: {  	[smem:$0x3FB2] =	sst s10  }
0x38: {  	s10 =	sld [smem:$0x3FB3]  }
0x39: {  	_ = 	snop;
	(pc) =	sbr.ind lr, $3  }
0x3a: {  	_ = 	snop  }
0x3b: {  	_ = 	snop  }
0x3c: {  	p2 =	seq.s32 s10, $0x1;
	s10 =	sld [smem:$0x3FB2]  }
0x3d: {  	_ =	shalt  }
0x3e: {  	_ =	shalt  }
0x3f: {  	_ =	shalt  }
0x40: {  	_ =	shalt  }
0x41: {  	_ =	shalt  }
0x42: {  	_ =	shalt  }
0x43: {  	_ =	shalt  }
0x44: {  	_ =	shalt  }
0x45: {  	_ =	shalt  }
0x46: {  	_ =	shalt  }
0x47: {  	_ =	shalt  }
0x48: {  	_ =	shalt  }
0x49: {  	_ =	shalt  }
0x4a: {  	_ =	shalt  }
0x4b: {  	_ =	shalt  }
0x4c: {  	_ =	shalt  }
0x4d: {  	_ =	shalt  }
0x4e: {  	_ =	shalt  }
0x4f: {  	_ =	shalt  }
0x50: {  	_ =	shalt  }
0x51: {  	_ =	shalt  }
0x52: {  	_ =	shalt  }
0x53: {  	_ =	shalt  }
0x54: {  	_ =	shalt  }
0x55: {  	_ =	shalt  }
0x56: {  	_ =	shalt  }
0x57: {  	_ =	shalt  }
0x58: {  	_ =	shalt  }
0x59: {  	_ =	shalt  }
0x5a: {  	_ =	shalt  }
0x5b: {  	_ =	shalt  }
0x5c: {  	_ =	shalt  }
0x5d: {  	_ =	shalt  }
0x5e: {  	_ =	shalt  }
0x5f: {  	_ =	shalt  }
0x60: {  	_ =	shalt  }
0x61: {  	_ =	shalt  }
0x62: {  	_ =	shalt  }
0x63: {  	_ =	shalt  }
0x64: {  	_ =	shalt  }
0x65: {  	_ =	shalt  }
0x66: {  	_ =	shalt  }
0x67: {  	_ =	shalt  }
0x68: {  	_ =	shalt  }
0x69: {  	_ =	shalt  }
0x6a: {  	_ =	shalt  }
0x6b: {  	_ =	shalt  }
0x6c: {  	_ =	shalt  }
0x6d: {  	_ =	shalt  }
0x6e: {  	_ =	shalt  }
0x6f: {  	_ =	shalt  }
0x70: {  	_ =	shalt  }
0x71: {  	_ =	shalt  }
0x72: {  	_ =	shalt  }
0x73: {  	_ =	shalt  }
0x74: {  	_ =	shalt  }
0x75: {  	_ =	shalt  }
0x76: {  	_ =	shalt  }
0x77: {  	_ =	shalt  }
0x78: {  	_ =	shalt  }
0x79: {  	_ =	shalt  }
0x7a: {  	_ =	shalt  }
0x7b: {  	_ =	shalt  }
0x7c: {  	_ =	shalt  }
0x7d: {  	_ =	shalt  }
0x7e: {  	_ =	shalt  }
0x7f: {  	_ =	shalt  }
0x80: {  	_ =	shalt  }
0x81: {  	_ =	shalt  }
0x82: {  	_ =	shalt  }
0x83: {  	_ =	shalt  }
0x84: {  	_ =	shalt  }
0x85: {  	_ =	shalt  }
0x86: {  	_ =	shalt  }
0x87: {  	_ =	shalt  }
.Lfunc_end0:
.L_simem_size_0:
called_computation.1_lowered:
.L_overlay_start_0:
0x88: {  	s2 =	sld [smem:$0x3FD9]  }
0x89: {  	s3 =	sld [smem:$0x3FFE];
	_ =	sdelay $0x1  }
0x8a: {  	s1 =	srdreg.scid  }
0x8b: {  	s0 =	sand.u32 $0x1, s1  }
0x8c: {  	s17 =	sshll.u32 s0, $0xA;
	s2 =	sadd.s32 s3, s2  }
0x8d: {  	s2 =	sadd.s32 s2, s17  }
0x8e: {  	[smem:$0x3FBE] =	sst s2  }
0x8f: {  	_ = 	snop  }
0x90: {  	s2 =	sld [smem:$0x3FD0];
	(tm) =	ssettm $0x1  }
0x91: {  	s18 =	sld [smem:$0x3FFB];
	_ =	sdelay $0x3  }
0x92: {  	_ =	strace s18  }
0x93: {  	s3 =	sld [smem:$0x3FFC];
	_ =	sdelay $0x3  }
0x94: {  	_ =	strace s3  }
0x95: {  	s3 =	sld [smem:$0x3FFD];
	_ =	sdelay $0x3  }
0x96: {  	_ =	strace s3  }
0x97: {  	_ =	strace $0x8FFFFFFF  }
0x98: {  	s19 =	sld [smem:$0x3FDB];
	_ =	sdelay $0x1  }
0x99: {  	s4 =	simm.s32 $_scs_section_size  }
0x9a: {  	s5 =	simm.s32 $_size__tile_overlayer_lowered;
	s6 =	simm.s32 $_tile_overlayer_lowered  }
0x9b: {  	s22 =	simm.s32 $0x1BFF;
	s21 =	sshll.u32 s6, $0x1;
	s3 =	sadd.s32 s4, s19  }
0x9c: {  	s7 =	simm.s32 $0x0;
	s20 =	sshll.u32 s5, $0x1;
	s5 =	sadd.s32 s21, s3  }
0x9d: {  	[timem:s7], [sflag:s22] =	dma.local [hbm:s5], s20  }
0x9e: {  	_ =	swait.ge [sflag:s22], s20  }
0x9f: {  	s4 =	ssub.s32 $0x0, s20;
	[sflag:s22] =	ssyncset.done $0x0  }
0xa0: {  	[sflag:s22] =	ssyncadd.s32 s4;
	_ =	sdelay $0x1  }
0xa1: {  	s23 =	simm.s32 $0x1B8B  }
0xa2: {  	_ =	swait.ge [sflag:s23], $0x1  }
0xa3: {  	[sflag:s23] =	ssyncset.done $0x0  }
0xa4: {  	s25 =	simm.s32 $0x1B8E;
	s24 =	sld [smem:$0x3FFE];
	[sflag:s23] =	ssyncadd.s32 $0xFFFFFFFF  }
0xa5: {  	s26 =	simm.s32 $execute0_lowered;
	[smem:$0x3FD2] =	sst s25  }
0xa6: {  	s5 =	sshll.u32 s26, $0x1;
	_ =	strace $0x80000049;
	[dreg:$0x1] =	wrdreg $0xFFFFFFFF  }
0xa7: {  	s28 =	simm.s32 $_size_execute0_lowered;
	s3 =	sadd.s32 s3, s5;
	[dreg:$0x0] =	wrdreg $0x0  }
0xa8: {  	s5 =	sshll.u32 s28, $0x1;
	[dreg:$0x2] =	wrdreg s3  }
0xa9: {  	[dreg:$0x3] =	wrdreg s5  }
0xaa: {  	[dreg:$0x4] =	wrdreg $0xC0  }
0xab: {  	_ =	task [dreg:s7], $0x5FFFF  }
0xac: {  	[dreg:$0x1] =	wrdreg $0xFFFFFFFF  }
0xad: {  	[dreg:$0x0] =	wrdreg $0x60  }
0xae: {  	[dreg:$0x2] =	wrdreg s2  }
0xaf: {  	[dreg:$0x3] =	wrdreg s24  }
0xb0: {  	[dreg:$0x4] =	wrdreg $0x90000  }
0xb1: {  	[dreg:$0x5] =	wrdreg $0x9  }
0xb2: {  	_ =	task.clear_ibuf [dreg:s7], $0x6FFFF;
	_ =	strace $0x90000049  }
0xb3: {  	s29 =	simm.s32 $0x9;
	_ =	strace $0x8000004B  }
0xb4: {  	_ =	swait.ge [sflag:s29], $0x1  }
0xb5: {  	[sflag:s29] =	ssyncadd.s32 $0xFFFFFFFF  }
0xb6: {  	_ =	strace $0x9000004B  }
0xb7: {  	_ =	sfence  }
0xb8: {  	s30 =	sld [smem:$0x0];
	_ =	sdelay $0x2  }
0xb9: {  	s31 =	sshll.u32 s1, $0xD;
	s1 =	sshrl.u32 s1, $0x2  }
0xba: {  	s3 =	sand.u32 $0x4000, s31;
	s1 =	sadd.s32 s1, s30  }
0xbb: {  	s0 =	sor.u32 s3, s0;
	s1 =	sshll.u32 s1, $0x11  }
0xbc: {  	s0 =	sor.u32 s1, s0  }
0xbd: {  	s0 =	sadd.s32 $0x8F2B, s0  }
0xbe: {  	[sflag:s0] =	ssyncadd.remote.s32 $0x1  }
0xbf: {  	_ =	sfence.sel $0xFFFF  }
0xc0: {  	[dreg:$0x0] =	wrdreg $0xFFFFFFFF;
	(pc) =	sbr.abs _section_cstart, $3  }
0xc1: {  	[dreg:$0x1] =	wrdreg $0xFFFFFFFF  }
0xc2: {  	_ =	task.clear_ibuf [dreg:s7], $0x2FFFF;
	_ =	strace $0x9FFFFFFF  }
0xc3: {  	(tm) =	ssettm $0x7FFFFFFF  }
tec
execute0_lowered:
.L_overlay_start_1:
0x0: {  	(tag) =	ssettag $0x1  }
0x1: {  	s0 =	rddreg [dreg:$0x0]  }
0x2: {  	s1 =	srdreg.scid;
	s6 =	rddreg [dreg:$0x1]  }
0x3: {  	s3 =	rddreg [dreg:$0x2];
	s2 =	stileid.u32  }
0x4: {  	s4 =	simm.s32 $0x0;
	s13 =	simm.s32 $0x80;
	s14 =	simm.s32 $0x5000  }
0x5: {  	s5 =	sand.u32 $0x1, s1;
	s1 =	rddreg [dreg:$0x3];
	s10 =	smul.u32 $0x50000, s2  }
0x6: {  	s15 =	simm.s32 $0x1;
	[smem:$0x7FF] =	sst s4;
	s17 =	smul.u32 $0x2800, s2  }
0x7: {  	s11 =	sshll.u32 s2, $0x6;
	s7 =	sshll.u32 s5, $0x4;
	_ =	strace $0x8000004A  }
0x8: {  	s8 =	smul.u32 $0x28000, s5;
	s9 =	ssub.s32 $0x2, s5;
	s5 =	sadd.s32 $0x66000, s6  }
0x9: {  	s11 =	sor.u32 $0x1C02, s11;
	s7 =	sor.u32 s2, s7;
	s31 =	sshrl.u32 s9, $0x1  }
0xa: {  	s10 =	sshrl.u32 s10, $0x2;
	s7 =	smul.u32 $0x500, s7;
	s8 =	sadd.s32 s8, s6  }
0xb: {  	s9 =	ssub.s32 s9, s31;
	s12 =	sadd.s32 s10, s3;
	s10 =	simm.s32 $0x2800  }
0xc: {  	s16 =	sadd.s32 $0x68800, s8;
	s8 =	smax.u32 s9, $0x1;
	s9 =	simm.s32 $0x2  }
0xd: {  	s12 =	sshrl.u32 s12, $0x3;
	s7 =	sadd.s32 s7, s6;
	s16 =	sadd.s32 s17, s16  }
0xe: {  	s17 =	simm.s32 $0x0;
	s6 =	sadd.s32 $0xDC00, s7;
	s7 =	sadd.s32 $0x3C00, s7  }
.LBB2_1:
0xf: {  	[tilespmem:s4], [sflag:$0x2] =	stream.linear.gather [hbm4b:s6+s4], $0x2780, $0x38;
	[tilespmem:$0x1D000] =	vst v63  }
0x10: {  	_ =	swait.ge [sflag:s9], $0x2780  }
0x11: {  	[sflag:s9] =	ssyncset.done $0x0  }
0x12: {  	[sflag:s9] =	ssyncadd.s32 $0xFFFFD880  }
0x13: {  	[tilespmem:s10], [sflag:$0x2] =	stream.linear.gather [hbm4b:s7+s4], $0x2780, $0x38;
	[tilespmem:$0x1D000] =	vst v63  }
0x14: {  	_ =	swait.ge [sflag:s9], $0x2780  }
0x15: {  	[sflag:s9] =	ssyncset.done $0x0  }
0x16: {  	[sflag:s9] =	ssyncadd.s32 $0xFFFFD880  }
0x17: {  	[spmem:s12], [sflag:s11] =	dma.local [hbm:s5], $0x2800  }
0x18: {  	_ =	swait.ge [sflag:s9], $0x2800  }
0x19: {  	[sflag:s9] =	ssyncset.done $0x0  }
0x1a: {  	[sflag:s9] =	ssyncadd.s32 $0xFFFFD800  }
0x1b: {  	s18 =	simm.s32 $0x0;
	[bflag:$0x0] =	sbarrier.arrive $0xFFFF  }
0x1c: {  	[tilespmem:s14], [sflag:$0x1] =	stream.indirect.gather [hbm4b:s0+s13], $0x80, s18, s13, $0xb8;
	[tilespmem:$0x1D000] =	vst v63  }
0x1d: {  	_ =	swait.ge [sflag:s15], $0x4000  }
0x1e: {  	[sflag:s15] =	ssyncset.done $0x0  }
0x1f: {  	s31 =	simm.s32 $0x2800;
	[sflag:s15] =	ssyncadd.s32 $0xFFFFC000  }
0x20: {  	[spmem:s3] =	stream.indirect.scatter.add.f32 [tilespmem:s14], [sflag:$0x2], $0x80, s31, s13, $0xb8;
	[tilespmem:$0x1D000] =	vst v63  }
0x21: {  	_ =	swait.ge [sflag:s9], $0x4000  }
0x22: {  	s19 =	simm.s32 $0x400;
	s18 =	simm.s32 $0x200;
	[sflag:s9] =	ssyncset.done $0x0  }
.LBB2_2:
0x23: {  	s20 =	sshra.s32 s18, $0x2  }
0x24: {  	[sflag:s9] =	ssyncadd.s32 $0xFFFFC000;
	s18 =	smov.u32 s19;
	s21 =	sadd.s32 $0x200, s19  }
0x25: {  	[tilespmem:s14], [sflag:$0x1] =	stream.indirect.gather [hbm4b:s0+s13], $0x80, s20, s13, $0xb8;
	[tilespmem:$0x1D000] =	vst v63  }
0x26: {  	p0 =	sne.s32 s19, $0x9C00;
	_ =	swait.ge [sflag:s15], $0x4000  }
.Ltmp0:
0x27: {  	[sflag:s15] =	ssyncset.done $0x0;
	(pc) =	sbr.rel @p0 .LBB2_2-.Ltmp0, $4  }
0x28: {  	s19 =	sadd.s32 $0x2800, s20;
	[sflag:s15] =	ssyncadd.s32 $0xFFFFC000  }
0x29: {  	[spmem:s3] =	stream.indirect.scatter.add.f32 [tilespmem:s14], [sflag:$0x2], $0x80, s19, s13, $0xb8;
	[tilespmem:$0x1D000] =	vst v63  }
0x2a: {  	_ =	swait.ge [sflag:s9], $0x4000  }
0x2b: {  	s19 =	smov.u32 s21;
	[sflag:s9] =	ssyncset.done $0x0  }
0x2c: {  	s18 =	sshra.s32 s18, $0x2;
	[sflag:s9] =	ssyncadd.s32 $0xFFFFC000  }
0x2d: {  	[tilespmem:s14], [sflag:$0x1] =	stream.indirect.gather [hbm4b:s0+s13], $0x80, s18, s13, $0xb8;
	[tilespmem:$0x1D000] =	vst v63  }
0x2e: {  	_ =	swait.ge [sflag:s15], $0x4000  }
0x2f: {  	[sflag:s15] =	ssyncset.done $0x0  }
0x30: {  	s18 =	sadd.s32 $0x2800, s18;
	[sflag:s15] =	ssyncadd.s32 $0xFFFFC000  }
0x31: {  	[spmem:s3] =	stream.indirect.scatter.add.f32 [tilespmem:s14], [sflag:$0x2], $0x80, s18, s13, $0xb8;
	[tilespmem:$0x1D000] =	vst v63  }
0x32: {  	_ =	swait.ge [sflag:s9], $0x4000  }
0x33: {  	s17 =	sadd.s32 $0x1, s17;
	[sflag:s9] =	ssyncset.done $0x0  }
0x34: {  	p0 =	sne.s32 s17, s8;
	[sflag:s9] =	ssyncadd.s32 $0xFFFFC000  }
.Ltmp1:
0x35: {  	[bflag:$0x0] =	sbarrier.arrive $0xFFFF;
	(pc) =	sbr.rel @p0 .LBB2_1-.Ltmp1, $4  }
0x36: {  	[hbm:s16], [sflag:s11] =	dma.local [spmem:s12], $0x2800  }
0x37: {  	_ =	swait.ge [sflag:s9], $0x2800  }
0x38: {  	[sflag:s9] =	ssyncset.done $0x0  }
0x39: {  	[sflag:s9] =	ssyncadd.s32 $0xFFFFD800  }
0x3a: {  	_ =	sfence.sel $0x180000  }
0x3b: {  	[bflag:$0x0] =	sbarrier.arrive $0xFFFF  }
0x3c: {  	p0 =	sne.s32 s2, $0x0;
	_ =	strace $0x9000004A  }
0x3d: {  	s0 =	sadd.s32 @!p0 $0x100000, s1;
	[bflag:$0x2] =	sbarrier.arrive $0xFFFF  }
0x3e: {  	[sflag:s0] =	ssyncadd.tile.s32 @!p0 $0x1;
	_ =	shalt  }
.Lfunc_end2:
_tile_overlayer_lowered:
.L_overlay_start_2:
0x3f: {  	(tag) =	ssettag $0x2  }
0x40: {  	s0 =	rddreg [dreg:$0x0];
	s2 =	stileid.u32  }
0x41: {  	s1 =	rddreg [dreg:$0x1];
	p0 =	sne.s32 s2, $0x0  }
0x42: {  	s3 =	rddreg [dreg:$0x2];
	[bflag:$0x3] =	sbarrier.arrive $0xFFFF;
	s2 =	simm.s32 @!p0 $0x1C02  }
0x43: {  	[timem:s3], [sflag:s2] =	dma.local @!p0 [hbm:s0], s1  }
0x44: {  	s0 =	simm.s32 @!p0 $0x2  }
0x45: {  	_ =	swait.ge @!p0 [sflag:s0], s1  }
0x46: {  	s1 =	ssub.s32 @!p0 $0x0, s1;
	[sflag:s0] =	ssyncset.done @!p0 $0x0  }
0x47: {  	[sflag:s0] =	ssyncadd.s32 @!p0 s1  }
0x48: {  	[bflag:$0x3] =	sbarrier.arrive $0xFFFF  }
0x49: {  	_ =	shalt  }

// kernel: kernel.14.cloned.1.call-start
scs
__scs_entry_jumppad:
0x0: {  	(pc) =	sbr.rel $0x88, $3  }
0x1: {  	(tag) =	ssettag $0x0;
	lr =	simm.s32 $0x1  }
0x2: {  	[smem:$0x3F97] =	sst lr;
	_ =	strace $0xD0000000  }
0x3: {  	_ = 	snop  }
0x4: {  	_ = 	snop  }
0x5: {  	_ = 	snop  }
0x6: {  	_ = 	snop  }
0x7: {  	_ = 	snop  }
__scs_overlays_trampoline_lowered:
0x8: {  	[smem:$0x3FA6] =	sst s0  }
0x9: {  	[smem:$0x3FA7] =	sst s1  }
0xa: {  	[smem:$0x3FA8] =	sst s2  }
0xb: {  	[smem:$0x3FA9] =	sst s3  }
0xc: {  	[smem:$0x3FAA] =	sst s4  }
0xd: {  	[smem:$0x3FAB] =	sst s5  }
0xe: {  	[smem:$0x3FAC] =	sst s6  }
0xf: {  	[smem:$0x3FAD] =	sst s7  }
0x10: {  	[smem:$0x3FAE] =	sst s8  }
0x11: {  	[smem:$0x3FAF] =	sst s9;
	s0 =	simm.s32 @!p0 $0x0  }
0x12: {  	s1 =	sld [smem:$0x3F95];
	s0 =	simm.s32 @p0 $0x1  }
0x13: {  	[smem:$0x3FB0] =	sst s0;
	s0 =	simm.s32 @!p1 $0x0  }
0x14: {  	s2 =	sld [smem:$0x3F94];
	s0 =	simm.s32 @p1 $0x1  }
0x15: {  	[smem:$0x3FB1] =	sst s0;
	s0 =	simm.s32 @!p2 $0x0  }
0x16: {  	s3 =	sld [smem:$0x3FDB];
	s0 =	simm.s32 @p2 $0x1  }
0x17: {  	s4 =	simm.s32 $0x1BF5;
	[smem:$0x3FB3] =	sst s0  }
0x18: {  	s0 =	sld [smem:$0x3F96];
	_ =	swait.ge [sflag:s4], $0x0  }
0x19: {  	s7 =	sld [smem:$0x3F97]  }
0x1a: {  	s8 =	sadd.s32 $0xFFFFE003, lr  }
0x1b: {  	s9 =	sadd.s32 $0xFFFFFEF7, lr;
	s5 =	simm.s32 $0xFFFFFFFF;
	p2 =	slt.u32 s8, $0xFFFFF086  }
0x1c: {  	p1 =	slt.u32 s9, $0xF7A;
	s5 =	simm.s32 @!p2 $0x0  }
0x1d: {  	s5 =	simm.s32 @p1 $0x1;
	p0 =	seq.s32 s7, s2  }
0x1e: {  	s7 =	smul.u32 @!p0 $0xF7A, s2;
	p2 =	seq.s32 @!p0 s5, $0x0  }
0x1f: {  	s9 =	smul.u32 $0xF7A, s1;
	s8 =	simm.s32 @!p0 $0x1BF5;
	p2 =	por !p2, p0  }
0x20: {  	[sflag:s8] =	ssyncset.s32 @!p0 $0xFFFFF086;
	s6 =	sadd.s32 @!p0 s3, s7;
	s7 =	simm.s32 @!p0 $0x108  }
0x21: {  	s3 =	sadd.s32 s3, s9;
	s6 =	sadd.s32 @!p0 $0x88, s6;
	s7 =	simm.s32 @p2 $0x1082  }
0x22: {  	[simem:s7], [sflag:s8] =	dma.local @!p0 [hbm:s6], $0xF7A  }
0x23: {  	s9 =	sor.u32 $0xD0000000, s2;
	s6 =	simm.s32 $0x108;
	_ =	swait.ge @!p0 [sflag:s8], $0x0  }
0x24: {  	s3 =	sadd.s32 $0x88, s3;
	s6 =	simm.s32 @!p1 $0x1082;
	[sflag:s4] =	ssyncset.s32 $0xFFFFF086  }
0x25: {  	[simem:s6], [sflag:s4] =	dma.local [hbm:s3], $0xF7A  }
0x26: {  	[smem:$0x3F97] =	sst s1;
	(tag) =	ssettag s2;
	_ =	strace s9  }
0x27: {  	s1 =	sld [smem:$0x3FA7]  }
0x28: {  	s2 =	sld [smem:$0x3FA8]  }
0x29: {  	s4 =	sld [smem:$0x3FAA]  }
0x2a: {  	p0 =	seq.s32 s5, $0x0;
	s5 =	sld [smem:$0x3FAB]  }
0x2b: {  	s6 =	sld [smem:$0x3FAC]  }
0x2c: {  	s7 =	sld [smem:$0x3FAD]  }
0x2d: {  	s3 =	simm.s32 $0x108;
	s8 =	sld [smem:$0x3FAE]  }
0x2e: {  	s3 =	simm.s32 @!p0 $0x1082;
	s9 =	sld [smem:$0x3FAF]  }
0x2f: {  	lr =	sadd.s32 s0, s3;
	s0 =	sld [smem:$0x3FA6]  }
0x30: {  	s3 =	sld [smem:$0x3FA9]  }
0x31: {  	[smem:$0x3FB2] =	sst s10  }
0x32: {  	s10 =	sld [smem:$0x3FB0];
	_ =	sdelay $0x3  }
0x33: {  	p0 =	seq.s32 s10, $0x1;
	s10 =	sld [smem:$0x3FB2];
	_ =	sdelay $0x3  }
0x34: {  	[smem:$0x3FB2] =	sst s10  }
0x35: {  	s10 =	sld [smem:$0x3FB1];
	_ =	sdelay $0x3  }
0x36: {  	p1 =	seq.s32 s10, $0x1;
	s10 =	sld [smem:$0x3FB2];
	_ =	sdelay $0x3  }
0x37: {  	[smem:$0x3FB2] =	sst s10  }
0x38: {  	s10 =	sld [smem:$0x3FB3]  }
0x39: {  	_ = 	snop;
	(pc) =	sbr.ind lr, $3  }
0x3a: {  	_ = 	snop  }
0x3b: {  	_ = 	snop  }
0x3c: {  	p2 =	seq.s32 s10, $0x1;
	s10 =	sld [smem:$0x3FB2]  }
0x3d: {  	_ =	shalt  }
0x3e: {  	_ =	shalt  }
0x3f: {  	_ =	shalt  }
0x40: {  	_ =	shalt  }
0x41: {  	_ =	shalt  }
0x42: {  	_ =	shalt  }
0x43: {  	_ =	shalt  }
0x44: {  	_ =	shalt  }
0x45: {  	_ =	shalt  }
0x46: {  	_ =	shalt  }
0x47: {  	_ =	shalt  }
0x48: {  	_ =	shalt  }
0x49: {  	_ =	shalt  }
0x4a: {  	_ =	shalt  }
0x4b: {  	_ =	shalt  }
0x4c: {  	_ =	shalt  }
0x4d: {  	_ =	shalt  }
0x4e: {  	_ =	shalt  }
0x4f: {  	_ =	shalt  }
0x50: {  	_ =	shalt  }
0x51: {  	_ =	shalt  }
0x52: {  	_ =	shalt  }
0x53: {  	_ =	shalt  }
0x54: {  	_ =	shalt  }
0x55: {  	_ =	shalt  }
0x56: {  	_ =	shalt  }
0x57: {  	_ =	shalt  }
0x58: {  	_ =	shalt  }
0x59: {  	_ =	shalt  }
0x5a: {  	_ =	shalt  }
0x5b: {  	_ =	shalt  }
0x5c: {  	_ =	shalt  }
0x5d: {  	_ =	shalt  }
0x5e: {  	_ =	shalt  }
0x5f: {  	_ =	shalt  }
0x60: {  	_ =	shalt  }
0x61: {  	_ =	shalt  }
0x62: {  	_ =	shalt  }
0x63: {  	_ =	shalt  }
0x64: {  	_ =	shalt  }
0x65: {  	_ =	shalt  }
0x66: {  	_ =	shalt  }
0x67: {  	_ =	shalt  }
0x68: {  	_ =	shalt  }
0x69: {  	_ =	shalt  }
0x6a: {  	_ =	shalt  }
0x6b: {  	_ =	shalt  }
0x6c: {  	_ =	shalt  }
0x6d: {  	_ =	shalt  }
0x6e: {  	_ =	shalt  }
0x6f: {  	_ =	shalt  }
0x70: {  	_ =	shalt  }
0x71: {  	_ =	shalt  }
0x72: {  	_ =	shalt  }
0x73: {  	_ =	shalt  }
0x74: {  	_ =	shalt  }
0x75: {  	_ =	shalt  }
0x76: {  	_ =	shalt  }
0x77: {  	_ =	shalt  }
0x78: {  	_ =	shalt  }
0x79: {  	_ =	shalt  }
0x7a: {  	_ =	shalt  }
0x7b: {  	_ =	shalt  }
0x7c: {  	_ =	shalt  }
0x7d: {  	_ =	shalt  }
0x7e: {  	_ =	shalt  }
0x7f: {  	_ =	shalt  }
0x80: {  	_ =	shalt  }
0x81: {  	_ =	shalt  }
0x82: {  	_ =	shalt  }
0x83: {  	_ =	shalt  }
0x84: {  	_ =	shalt  }
0x85: {  	_ =	shalt  }
0x86: {  	_ =	shalt  }
0x87: {  	_ =	shalt  }
.Lfunc_end0:
.L_simem_size_0:
called_computation.2_lowered:
.L_overlay_start_0:
0x88: {  	s2 =	sld [smem:$0x3FD9]  }
0x89: {  	s3 =	sld [smem:$0x3FFE];
	_ =	sdelay $0x1  }
0x8a: {  	s1 =	srdreg.scid  }
0x8b: {  	s0 =	sand.u32 $0x1, s1  }
0x8c: {  	s17 =	sshll.u32 s0, $0xA;
	s2 =	sadd.s32 s3, s2  }
0x8d: {  	s2 =	sadd.s32 s2, s17  }
0x8e: {  	[smem:$0x3FBE] =	sst s2  }
0x8f: {  	_ = 	snop  }
0x90: {  	s2 =	sld [smem:$0x3FD0];
	(tm) =	ssettm $0x1  }
0x91: {  	s18 =	sld [smem:$0x3FFB];
	_ =	sdelay $0x3  }
0x92: {  	_ =	strace s18  }
0x93: {  	s3 =	sld [smem:$0x3FFC];
	_ =	sdelay $0x3  }
0x94: {  	_ =	strace s3  }
0x95: {  	s3 =	sld [smem:$0x3FFD];
	_ =	sdelay $0x3  }
0x96: {  	_ =	strace s3  }
0x97: {  	_ =	strace $0x8FFFFFFF  }
0x98: {  	s19 =	sld [smem:$0x3FDB];
	_ =	sdelay $0x1  }
0x99: {  	s4 =	simm.s32 $_scs_section_size  }
0x9a: {  	s5 =	simm.s32 $_size__tile_overlayer_lowered;
	s6 =	simm.s32 $_tile_overlayer_lowered  }
0x9b: {  	s22 =	simm.s32 $0x1BFF;
	s21 =	sshll.u32 s6, $0x1;
	s3 =	sadd.s32 s4, s19  }
0x9c: {  	s7 =	simm.s32 $0x0;
	s20 =	sshll.u32 s5, $0x1;
	s5 =	sadd.s32 s21, s3  }
0x9d: {  	[timem:s7], [sflag:s22] =	dma.local [hbm:s5], s20  }
0x9e: {  	_ =	swait.ge [sflag:s22], s20  }
0x9f: {  	s4 =	ssub.s32 $0x0, s20;
	[sflag:s22] =	ssyncset.done $0x0  }
0xa0: {  	[sflag:s22] =	ssyncadd.s32 s4;
	_ =	sdelay $0x1  }
0xa1: {  	s23 =	simm.s32 $0x1B8B  }
0xa2: {  	_ =	swait.ge [sflag:s23], $0x1  }
0xa3: {  	[sflag:s23] =	ssyncset.done $0x0  }
0xa4: {  	s25 =	simm.s32 $0x1B8E;
	s24 =	sld [smem:$0x3FFE];
	[sflag:s23] =	ssyncadd.s32 $0xFFFFFFFF  }
0xa5: {  	s26 =	simm.s32 $execute0_lowered;
	[smem:$0x3FD2] =	sst s25  }
0xa6: {  	s5 =	sshll.u32 s26, $0x1;
	_ =	strace $0x8000004C;
	[dreg:$0x1] =	wrdreg $0xFFFFFFFF  }
0xa7: {  	s28 =	simm.s32 $_size_execute0_lowered;
	s3 =	sadd.s32 s3, s5;
	[dreg:$0x0] =	wrdreg $0x0  }
0xa8: {  	s5 =	sshll.u32 s28, $0x1;
	[dreg:$0x2] =	wrdreg s3  }
0xa9: {  	[dreg:$0x3] =	wrdreg s5  }
0xaa: {  	[dreg:$0x4] =	wrdreg $0xC0  }
0xab: {  	_ =	task [dreg:s7], $0x5FFFF  }
0xac: {  	[dreg:$0x1] =	wrdreg $0xFFFFFFFF  }
0xad: {  	[dreg:$0x0] =	wrdreg $0x60  }
0xae: {  	[dreg:$0x2] =	wrdreg s2  }
0xaf: {  	[dreg:$0x3] =	wrdreg s24  }
0xb0: {  	[dreg:$0x4] =	wrdreg $0x90000  }
0xb1: {  	[dreg:$0x5] =	wrdreg $0x9  }
0xb2: {  	_ =	task.clear_ibuf [dreg:s7], $0x6FFFF;
	_ =	strace $0x9000004C  }
0xb3: {  	s29 =	simm.s32 $0x9;
	_ =	strace $0x8000004E  }
0xb4: {  	_ =	swait.ge [sflag:s29], $0x1  }
0xb5: {  	[sflag:s29] =	ssyncadd.s32 $0xFFFFFFFF  }
0xb6: {  	_ =	strace $0x9000004E  }
0xb7: {  	_ =	sfence  }
0xb8: {  	s30 =	sld [smem:$0x0];
	_ =	sdelay $0x2  }
0xb9: {  	s31 =	sshll.u32 s1, $0xD;
	s1 =	sshrl.u32 s1, $0x2  }
0xba: {  	s3 =	sand.u32 $0x4000, s31;
	s1 =	sadd.s32 s1, s30  }
0xbb: {  	s0 =	sor.u32 s3, s0;
	s1 =	sshll.u32 s1, $0x11  }
0xbc: {  	s0 =	sor.u32 s1, s0  }
0xbd: {  	s0 =	sadd.s32 $0x8F2B, s0  }
0xbe: {  	[sflag:s0] =	ssyncadd.remote.s32 $0x1  }
0xbf: {  	_ =	sfence.sel $0xFFFF  }
0xc0: {  	[dreg:$0x0] =	wrdreg $0xFFFFFFFF;
	(pc) =	sbr.abs _section_cstart, $3  }
0xc1: {  	[dreg:$0x1] =	wrdreg $0xFFFFFFFF  }
0xc2: {  	_ =	task.clear_ibuf [dreg:s7], $0x2FFFF;
	_ =	strace $0x9FFFFFFF  }
0xc3: {  	(tm) =	ssettm $0x7FFFFFFF  }
tec
execute0_lowered:
.L_overlay_start_1:
0x0: {  	(tag) =	ssettag $0x1  }
0x1: {  	s0 =	rddreg [dreg:$0x0]  }
0x2: {  	s1 =	srdreg.scid;
	s6 =	rddreg [dreg:$0x1]  }
0x3: {  	s3 =	rddreg [dreg:$0x2];
	s2 =	stileid.u32  }
0x4: {  	s4 =	simm.s32 $0x0;
	s13 =	simm.s32 $0x80;
	s14 =	simm.s32 $0x5000  }
0x5: {  	s5 =	sand.u32 $0x1, s1;
	s1 =	rddreg [dreg:$0x3];
	s10 =	smul.u32 $0x50000, s2  }
0x6: {  	s15 =	simm.s32 $0x1;
	[smem:$0x7FF] =	sst s4;
	s17 =	smul.u32 $0x2800, s2  }
0x7: {  	s11 =	sshll.u32 s2, $0x6;
	s7 =	sshll.u32 s5, $0x4;
	_ =	strace $0x8000004D  }
0x8: {  	s8 =	smul.u32 $0x28000, s5;
	s9 =	ssub.s32 $0x2, s5;
	s5 =	sadd.s32 $0x66000, s6  }
0x9: {  	s11 =	sor.u32 $0x1C02, s11;
	s7 =	sor.u32 s2, s7;
	s31 =	sshrl.u32 s9, $0x1  }
0xa: {  	s10 =	sshrl.u32 s10, $0x2;
	s7 =	smul.u32 $0x500, s7;
	s8 =	sadd.s32 s8, s6  }
0xb: {  	s9 =	ssub.s32 s9, s31;
	s12 =	sadd.s32 s10, s3;
	s10 =	simm.s32 $0x2800  }
0xc: {  	s16 =	sadd.s32 $0x68800, s8;
	s8 =	smax.u32 s9, $0x1;
	s9 =	simm.s32 $0x2  }
0xd: {  	s12 =	sshrl.u32 s12, $0x3;
	s7 =	sadd.s32 s7, s6;
	s16 =	sadd.s32 s17, s16  }
0xe: {  	s17 =	simm.s32 $0x0;
	s6 =	sadd.s32 $0xDC00, s7;
	s7 =	sadd.s32 $0x3C00, s7  }
.LBB2_1:
0xf: {  	[tilespmem:s4], [sflag:$0x2] =	stream.linear.gather [hbm4b:s6+s4], $0x2780, $0x38;
	[tilespmem:$0x1D000] =	vst v63  }
0x10: {  	_ =	swait.ge [sflag:s9], $0x2780  }
0x11: {  	[sflag:s9] =	ssyncset.done $0x0  }
0x12: {  	[sflag:s9] =	ssyncadd.s32 $0xFFFFD880  }
0x13: {  	[tilespmem:s10], [sflag:$0x2] =	stream.linear.gather [hbm4b:s7+s4], $0x2780, $0x38;
	[tilespmem:$0x1D000] =	vst v63  }
0x14: {  	_ =	swait.ge [sflag:s9], $0x2780  }
0x15: {  	[sflag:s9] =	ssyncset.done $0x0  }
0x16: {  	[sflag:s9] =	ssyncadd.s32 $0xFFFFD880  }
0x17: {  	[spmem:s12], [sflag:s11] =	dma.local [hbm:s5], $0x2800  }
0x18: {  	_ =	swait.ge [sflag:s9], $0x2800  }
0x19: {  	[sflag:s9] =	ssyncset.done $0x0  }
0x1a: {  	[sflag:s9] =	ssyncadd.s32 $0xFFFFD800  }
0x1b: {  	s18 =	simm.s32 $0x0;
	[bflag:$0x0] =	sbarrier.arrive $0xFFFF  }
0x1c: {  	[tilespmem:s14], [sflag:$0x1] =	stream.indirect.gather [hbm4b:s0+s13], $0x80, s18, s13, $0xb8;
	[tilespmem:$0x1D000] =	vst v63  }
0x1d: {  	_ =	swait.ge [sflag:s15], $0x4000  }
0x1e: {  	[sflag:s15] =	ssyncset.done $0x0  }
0x1f: {  	s31 =	simm.s32 $0x2800;
	[sflag:s15] =	ssyncadd.s32 $0xFFFFC000  }
0x20: {  	[spmem:s3] =	stream.indirect.scatter.add.f32 [tilespmem:s14], [sflag:$0x2], $0x80, s31, s13, $0xb8;
	[tilespmem:$0x1D000] =	vst v63  }
0x21: {  	_ =	swait.ge [sflag:s9], $0x4000  }
0x22: {  	s19 =	simm.s32 $0x400;
	s18 =	simm.s32 $0x200;
	[sflag:s9] =	ssyncset.done $0x0  }
.LBB2_2:
0x23: {  	s20 =	sshra.s32 s18, $0x2  }
0x24: {  	[sflag:s9] =	ssyncadd.s32 $0xFFFFC000;
	s18 =	smov.u32 s19;
	s21 =	sadd.s32 $0x200, s19  }
0x25: {  	[tilespmem:s14], [sflag:$0x1] =	stream.indirect.gather [hbm4b:s0+s13], $0x80, s20, s13, $0xb8;
	[tilespmem:$0x1D000] =	vst v63  }
0x26: {  	p0 =	sne.s32 s19, $0x9C00;
	_ =	swait.ge [sflag:s15], $0x4000  }
.Ltmp0:
0x27: {  	[sflag:s15] =	ssyncset.done $0x0;
	(pc) =	sbr.rel @p0 .LBB2_2-.Ltmp0, $4  }
0x28: {  	s19 =	sadd.s32 $0x2800, s20;
	[sflag:s15] =	ssyncadd.s32 $0xFFFFC000  }
0x29: {  	[spmem:s3] =	stream.indirect.scatter.add.f32 [tilespmem:s14], [sflag:$0x2], $0x80, s19, s13, $0xb8;
	[tilespmem:$0x1D000] =	vst v63  }
0x2a: {  	_ =	swait.ge [sflag:s9], $0x4000  }
0x2b: {  	s19 =	smov.u32 s21;
	[sflag:s9] =	ssyncset.done $0x0  }
0x2c: {  	s18 =	sshra.s32 s18, $0x2;
	[sflag:s9] =	ssyncadd.s32 $0xFFFFC000  }
0x2d: {  	[tilespmem:s14], [sflag:$0x1] =	stream.indirect.gather [hbm4b:s0+s13], $0x80, s18, s13, $0xb8;
	[tilespmem:$0x1D000] =	vst v63  }
0x2e: {  	_ =	swait.ge [sflag:s15], $0x4000  }
0x2f: {  	[sflag:s15] =	ssyncset.done $0x0  }
0x30: {  	s18 =	sadd.s32 $0x2800, s18;
	[sflag:s15] =	ssyncadd.s32 $0xFFFFC000  }
0x31: {  	[spmem:s3] =	stream.indirect.scatter.add.f32 [tilespmem:s14], [sflag:$0x2], $0x80, s18, s13, $0xb8;
	[tilespmem:$0x1D000] =	vst v63  }
0x32: {  	_ =	swait.ge [sflag:s9], $0x4000  }
0x33: {  	s17 =	sadd.s32 $0x1, s17;
	[sflag:s9] =	ssyncset.done $0x0  }
0x34: {  	p0 =	sne.s32 s17, s8;
	[sflag:s9] =	ssyncadd.s32 $0xFFFFC000  }
.Ltmp1:
0x35: {  	[bflag:$0x0] =	sbarrier.arrive $0xFFFF;
	(pc) =	sbr.rel @p0 .LBB2_1-.Ltmp1, $4  }
0x36: {  	[hbm:s16], [sflag:s11] =	dma.local [spmem:s12], $0x2800  }
0x37: {  	_ =	swait.ge [sflag:s9], $0x2800  }
0x38: {  	[sflag:s9] =	ssyncset.done $0x0  }
0x39: {  	[sflag:s9] =	ssyncadd.s32 $0xFFFFD800  }
0x3a: {  	_ =	sfence.sel $0x180000  }
0x3b: {  	[bflag:$0x0] =	sbarrier.arrive $0xFFFF  }
0x3c: {  	p0 =	sne.s32 s2, $0x0;
	_ =	strace $0x9000004D  }
0x3d: {  	s0 =	sadd.s32 @!p0 $0x100000, s1;
	[bflag:$0x2] =	sbarrier.arrive $0xFFFF  }
0x3e: {  	[sflag:s0] =	ssyncadd.tile.s32 @!p0 $0x1;
	_ =	shalt  }
.Lfunc_end2:
_tile_overlayer_lowered:
.L_overlay_start_2:
0x3f: {  	(tag) =	ssettag $0x2  }
0x40: {  	s0 =	rddreg [dreg:$0x0];
	s2 =	stileid.u32  }
0x41: {  	s1 =	rddreg [dreg:$0x1];
	p0 =	sne.s32 s2, $0x0  }
0x42: {  	s3 =	rddreg [dreg:$0x2];
	[bflag:$0x3] =	sbarrier.arrive $0xFFFF;
	s2 =	simm.s32 @!p0 $0x1C02  }
0x43: {  	[timem:s3], [sflag:s2] =	dma.local @!p0 [hbm:s0], s1  }
0x44: {  	s0 =	simm.s32 @!p0 $0x2  }
0x45: {  	_ =	swait.ge @!p0 [sflag:s0], s1  }
0x46: {  	s1 =	ssub.s32 @!p0 $0x0, s1;
	[sflag:s0] =	ssyncset.done @!p0 $0x0  }
0x47: {  	[sflag:s0] =	ssyncadd.s32 @!p0 s1  }
0x48: {  	[bflag:$0x3] =	sbarrier.arrive $0xFFFF  }
0x49: {  	_ =	shalt  }

// kernel: kernel.8.cloned.1.call-start
scs
__scs_entry_jumppad:
0x0: {  	(pc) =	sbr.rel $0x88, $3  }
0x1: {  	(tag) =	ssettag $0x0;
	lr =	simm.s32 $0x1  }
0x2: {  	[smem:$0x3F97] =	sst lr;
	_ =	strace $0xD0000000  }
0x3: {  	_ = 	snop  }
0x4: {  	_ = 	snop  }
0x5: {  	_ = 	snop  }
0x6: {  	_ = 	snop  }
0x7: {  	_ = 	snop  }
__scs_overlays_trampoline_lowered:
0x8: {  	[smem:$0x3FA6] =	sst s0  }
0x9: {  	[smem:$0x3FA7] =	sst s1  }
0xa: {  	[smem:$0x3FA8] =	sst s2  }
0xb: {  	[smem:$0x3FA9] =	sst s3  }
0xc: {  	[smem:$0x3FAA] =	sst s4  }
0xd: {  	[smem:$0x3FAB] =	sst s5  }
0xe: {  	[smem:$0x3FAC] =	sst s6  }
0xf: {  	[smem:$0x3FAD] =	sst s7  }
0x10: {  	[smem:$0x3FAE] =	sst s8  }
0x11: {  	[smem:$0x3FAF] =	sst s9;
	s0 =	simm.s32 @!p0 $0x0  }
0x12: {  	s1 =	sld [smem:$0x3F95];
	s0 =	simm.s32 @p0 $0x1  }
0x13: {  	[smem:$0x3FB0] =	sst s0;
	s0 =	simm.s32 @!p1 $0x0  }
0x14: {  	s2 =	sld [smem:$0x3F94];
	s0 =	simm.s32 @p1 $0x1  }
0x15: {  	[smem:$0x3FB1] =	sst s0;
	s0 =	simm.s32 @!p2 $0x0  }
0x16: {  	s3 =	sld [smem:$0x3FDB];
	s0 =	simm.s32 @p2 $0x1  }
0x17: {  	s4 =	simm.s32 $0x1BF5;
	[smem:$0x3FB3] =	sst s0  }
0x18: {  	s0 =	sld [smem:$0x3F96];
	_ =	swait.ge [sflag:s4], $0x0  }
0x19: {  	s7 =	sld [smem:$0x3F97]  }
0x1a: {  	s8 =	sadd.s32 $0xFFFFE003, lr  }
0x1b: {  	s9 =	sadd.s32 $0xFFFFFEF7, lr;
	s5 =	simm.s32 $0xFFFFFFFF;
	p2 =	slt.u32 s8, $0xFFFFF086  }
0x1c: {  	p1 =	slt.u32 s9, $0xF7A;
	s5 =	simm.s32 @!p2 $0x0  }
0x1d: {  	s5 =	simm.s32 @p1 $0x1;
	p0 =	seq.s32 s7, s2  }
0x1e: {  	s7 =	smul.u32 @!p0 $0xF7A, s2;
	p2 =	seq.s32 @!p0 s5, $0x0  }
0x1f: {  	s9 =	smul.u32 $0xF7A, s1;
	s8 =	simm.s32 @!p0 $0x1BF5;
	p2 =	por !p2, p0  }
0x20: {  	[sflag:s8] =	ssyncset.s32 @!p0 $0xFFFFF086;
	s6 =	sadd.s32 @!p0 s3, s7;
	s7 =	simm.s32 @!p0 $0x108  }
0x21: {  	s3 =	sadd.s32 s3, s9;
	s6 =	sadd.s32 @!p0 $0x88, s6;
	s7 =	simm.s32 @p2 $0x1082  }
0x22: {  	[simem:s7], [sflag:s8] =	dma.local @!p0 [hbm:s6], $0xF7A  }
0x23: {  	s9 =	sor.u32 $0xD0000000, s2;
	s6 =	simm.s32 $0x108;
	_ =	swait.ge @!p0 [sflag:s8], $0x0  }
0x24: {  	s3 =	sadd.s32 $0x88, s3;
	s6 =	simm.s32 @!p1 $0x1082;
	[sflag:s4] =	ssyncset.s32 $0xFFFFF086  }
0x25: {  	[simem:s6], [sflag:s4] =	dma.local [hbm:s3], $0xF7A  }
0x26: {  	[smem:$0x3F97] =	sst s1;
	(tag) =	ssettag s2;
	_ =	strace s9  }
0x27: {  	s1 =	sld [smem:$0x3FA7]  }
0x28: {  	s2 =	sld [smem:$0x3FA8]  }
0x29: {  	s4 =	sld [smem:$0x3FAA]  }
0x2a: {  	p0 =	seq.s32 s5, $0x0;
	s5 =	sld [smem:$0x3FAB]  }
0x2b: {  	s6 =	sld [smem:$0x3FAC]  }
0x2c: {  	s7 =	sld [smem:$0x3FAD]  }
0x2d: {  	s3 =	simm.s32 $0x108;
	s8 =	sld [smem:$0x3FAE]  }
0x2e: {  	s3 =	simm.s32 @!p0 $0x1082;
	s9 =	sld [smem:$0x3FAF]  }
0x2f: {  	lr =	sadd.s32 s0, s3;
	s0 =	sld [smem:$0x3FA6]  }
0x30: {  	s3 =	sld [smem:$0x3FA9]  }
0x31: {  	[smem:$0x3FB2] =	sst s10  }
0x32: {  	s10 =	sld [smem:$0x3FB0];
	_ =	sdelay $0x3  }
0x33: {  	p0 =	seq.s32 s10, $0x1;
	s10 =	sld [smem:$0x3FB2];
	_ =	sdelay $0x3  }
0x34: {  	[smem:$0x3FB2] =	sst s10  }
0x35: {  	s10 =	sld [smem:$0x3FB1];
	_ =	sdelay $0x3  }
0x36: {  	p1 =	seq.s32 s10, $0x1;
	s10 =	sld [smem:$0x3FB2];
	_ =	sdelay $0x3  }
0x37: {  	[smem:$0x3FB2] =	sst s10  }
0x38: {  	s10 =	sld [smem:$0x3FB3]  }
0x39: {  	_ = 	snop;
	(pc) =	sbr.ind lr, $3  }
0x3a: {  	_ = 	snop  }
0x3b: {  	_ = 	snop  }
0x3c: {  	p2 =	seq.s32 s10, $0x1;
	s10 =	sld [smem:$0x3FB2]  }
0x3d: {  	_ =	shalt  }
0x3e: {  	_ =	shalt  }
0x3f: {  	_ =	shalt  }
0x40: {  	_ =	shalt  }
0x41: {  	_ =	shalt  }
0x42: {  	_ =	shalt  }
0x43: {  	_ =	shalt  }
0x44: {  	_ =	shalt  }
0x45: {  	_ =	shalt  }
0x46: {  	_ =	shalt  }
0x47: {  	_ =	shalt  }
0x48: {  	_ =	shalt  }
0x49: {  	_ =	shalt  }
0x4a: {  	_ =	shalt  }
0x4b: {  	_ =	shalt  }
0x4c: {  	_ =	shalt  }
0x4d: {  	_ =	shalt  }
0x4e: {  	_ =	shalt  }
0x4f: {  	_ =	shalt  }
0x50: {  	_ =	shalt  }
0x51: {  	_ =	shalt  }
0x52: {  	_ =	shalt  }
0x53: {  	_ =	shalt  }
0x54: {  	_ =	shalt  }
0x55: {  	_ =	shalt  }
0x56: {  	_ =	shalt  }
0x57: {  	_ =	shalt  }
0x58: {  	_ =	shalt  }
0x59: {  	_ =	shalt  }
0x5a: {  	_ =	shalt  }
0x5b: {  	_ =	shalt  }
0x5c: {  	_ =	shalt  }
0x5d: {  	_ =	shalt  }
0x5e: {  	_ =	shalt  }
0x5f: {  	_ =	shalt  }
0x60: {  	_ =	shalt  }
0x61: {  	_ =	shalt  }
0x62: {  	_ =	shalt  }
0x63: {  	_ =	shalt  }
0x64: {  	_ =	shalt  }
0x65: {  	_ =	shalt  }
0x66: {  	_ =	shalt  }
0x67: {  	_ =	shalt  }
0x68: {  	_ =	shalt  }
0x69: {  	_ =	shalt  }
0x6a: {  	_ =	shalt  }
0x6b: {  	_ =	shalt  }
0x6c: {  	_ =	shalt  }
0x6d: {  	_ =	shalt  }
0x6e: {  	_ =	shalt  }
0x6f: {  	_ =	shalt  }
0x70: {  	_ =	shalt  }
0x71: {  	_ =	shalt  }
0x72: {  	_ =	shalt  }
0x73: {  	_ =	shalt  }
0x74: {  	_ =	shalt  }
0x75: {  	_ =	shalt  }
0x76: {  	_ =	shalt  }
0x77: {  	_ =	shalt  }
0x78: {  	_ =	shalt  }
0x79: {  	_ =	shalt  }
0x7a: {  	_ =	shalt  }
0x7b: {  	_ =	shalt  }
0x7c: {  	_ =	shalt  }
0x7d: {  	_ =	shalt  }
0x7e: {  	_ =	shalt  }
0x7f: {  	_ =	shalt  }
0x80: {  	_ =	shalt  }
0x81: {  	_ =	shalt  }
0x82: {  	_ =	shalt  }
0x83: {  	_ =	shalt  }
0x84: {  	_ =	shalt  }
0x85: {  	_ =	shalt  }
0x86: {  	_ =	shalt  }
0x87: {  	_ =	shalt  }
.Lfunc_end0:
.L_simem_size_0:
called_computation_lowered:
.L_overlay_start_0:
0x88: {  	s2 =	sld [smem:$0x3FD9]  }
0x89: {  	s3 =	sld [smem:$0x3FFE];
	_ =	sdelay $0x1  }
0x8a: {  	s1 =	srdreg.scid  }
0x8b: {  	s0 =	sand.u32 $0x1, s1  }
0x8c: {  	s17 =	sshll.u32 s0, $0xA;
	s2 =	sadd.s32 s3, s2  }
0x8d: {  	s2 =	sadd.s32 s2, s17  }
0x8e: {  	[smem:$0x3FBE] =	sst s2  }
0x8f: {  	_ = 	snop  }
0x90: {  	s2 =	sld [smem:$0x3FD0];
	(tm) =	ssettm $0x1  }
0x91: {  	s18 =	sld [smem:$0x3FFB];
	_ =	sdelay $0x3  }
0x92: {  	_ =	strace s18  }
0x93: {  	s3 =	sld [smem:$0x3FFC];
	_ =	sdelay $0x3  }
0x94: {  	_ =	strace s3  }
0x95: {  	s3 =	sld [smem:$0x3FFD];
	_ =	sdelay $0x3  }
0x96: {  	_ =	strace s3  }
0x97: {  	_ =	strace $0x8FFFFFFF  }
0x98: {  	s19 =	sld [smem:$0x3FDB];
	_ =	sdelay $0x1  }
0x99: {  	s4 =	simm.s32 $_scs_section_size  }
0x9a: {  	s5 =	simm.s32 $_size__tile_overlayer_lowered;
	s6 =	simm.s32 $_tile_overlayer_lowered  }
0x9b: {  	s22 =	simm.s32 $0x1BFF;
	s21 =	sshll.u32 s6, $0x1;
	s3 =	sadd.s32 s4, s19  }
0x9c: {  	s7 =	simm.s32 $0x0;
	s20 =	sshll.u32 s5, $0x1;
	s5 =	sadd.s32 s21, s3  }
0x9d: {  	[timem:s7], [sflag:s22] =	dma.local [hbm:s5], s20  }
0x9e: {  	_ =	swait.ge [sflag:s22], s20  }
0x9f: {  	s4 =	ssub.s32 $0x0, s20;
	[sflag:s22] =	ssyncset.done $0x0  }
0xa0: {  	[sflag:s22] =	ssyncadd.s32 s4;
	_ =	sdelay $0x1  }
0xa1: {  	s23 =	simm.s32 $0x1B8B  }
0xa2: {  	_ =	swait.ge [sflag:s23], $0x1  }
0xa3: {  	[sflag:s23] =	ssyncset.done $0x0  }
0xa4: {  	s25 =	simm.s32 $0x1B8E;
	s24 =	sld [smem:$0x3FFE];
	[sflag:s23] =	ssyncadd.s32 $0xFFFFFFFF  }
0xa5: {  	s26 =	simm.s32 $execute0_lowered;
	[smem:$0x3FD2] =	sst s25  }
0xa6: {  	s5 =	sshll.u32 s26, $0x1;
	_ =	strace $0x80000046;
	[dreg:$0x1] =	wrdreg $0xFFFFFFFF  }
0xa7: {  	s28 =	simm.s32 $_size_execute0_lowered;
	s3 =	sadd.s32 s3, s5;
	[dreg:$0x0] =	wrdreg $0x0  }
0xa8: {  	s5 =	sshll.u32 s28, $0x1;
	[dreg:$0x2] =	wrdreg s3  }
0xa9: {  	[dreg:$0x3] =	wrdreg s5  }
0xaa: {  	[dreg:$0x4] =	wrdreg $0xC0  }
0xab: {  	_ =	task [dreg:s7], $0x5FFFF  }
0xac: {  	[dreg:$0x1] =	wrdreg $0xFFFFFFFF  }
0xad: {  	[dreg:$0x0] =	wrdreg $0x60  }
0xae: {  	[dreg:$0x2] =	wrdreg s24  }
0xaf: {  	[dreg:$0x3] =	wrdreg s2  }
0xb0: {  	[dreg:$0x4] =	wrdreg $0x55000  }
0xb1: {  	[dreg:$0x5] =	wrdreg $0x9  }
0xb2: {  	_ =	task.clear_ibuf [dreg:s7], $0x6FFFF;
	_ =	strace $0x90000046  }
0xb3: {  	s29 =	simm.s32 $0x9;
	_ =	strace $0x80000048  }
0xb4: {  	_ =	swait.ge [sflag:s29], $0x1  }
0xb5: {  	[sflag:s29] =	ssyncadd.s32 $0xFFFFFFFF  }
0xb6: {  	_ =	strace $0x90000048  }
0xb7: {  	_ =	sfence  }
0xb8: {  	s30 =	sld [smem:$0x0];
	_ =	sdelay $0x2  }
0xb9: {  	s31 =	sshll.u32 s1, $0xD;
	s1 =	sshrl.u32 s1, $0x2  }
0xba: {  	s3 =	sand.u32 $0x4000, s31;
	s1 =	sadd.s32 s1, s30  }
0xbb: {  	s0 =	sor.u32 s3, s0;
	s1 =	sshll.u32 s1, $0x11  }
0xbc: {  	s0 =	sor.u32 s1, s0  }
0xbd: {  	s0 =	sadd.s32 $0x8F2B, s0  }
0xbe: {  	[sflag:s0] =	ssyncadd.remote.s32 $0x1  }
0xbf: {  	_ =	sfence.sel $0xFFFF  }
0xc0: {  	[dreg:$0x0] =	wrdreg $0xFFFFFFFF;
	(pc) =	sbr.abs _section_cstart, $3  }
0xc1: {  	[dreg:$0x1] =	wrdreg $0xFFFFFFFF  }
0xc2: {  	_ =	task.clear_ibuf [dreg:s7], $0x2FFFF;
	_ =	strace $0x9FFFFFFF  }
0xc3: {  	(tm) =	ssettm $0x7FFFFFFF  }
tec
execute0_lowered:
.L_overlay_start_1:
0x0: {  	(tag) =	ssettag $0x1  }
0x1: {  	s0 =	rddreg [dreg:$0x0]  }
0x2: {  	s1 =	srdreg.scid;
	s21 =	rddreg [dreg:$0x1]  }
0x3: {  	s5 =	rddreg [dreg:$0x2];
	s2 =	stileid.u32  }
0x4: {  	s6 =	simm.s32 $0x0;
	s23 =	simm.s32 $0x2800;
	s28 =	simm.s32 $0x5280  }
0x5: {  	s29 =	simm.s32 $0x100;
	s30 =	simm.s32 $0x5000;
	s31 =	simm.s32 $0x0  }
0x6: {  	s1 =	sand.u32 $0x1, s1;
	s4 =	sshrl.u32 s2, $0x3;
	s7 =	smul.u32 $0x1400, s2  }
0x7: {  	[smem:$0x7FF] =	sst s6;
	s25 =	sshll.u32 s2, $0x7;
	s26 =	smul.u32 $0xA0, s2  }
0x8: {  	s22 =	sshll.u32 s1, $0x4;
	s1 =	ssub.s32 $0x2, s1;
	s4 =	smul.u32 $0x50000, s4  }
0x9: {  	_ =	strace $0x80000047;
	s6 =	sand.u32 $0x380, s25;
	s3 =	sor.u32 s2, s22  }
0xa: {  	s25 =	simm.s32 $0x80;
	s24 =	sshrl.u32 s1, $0x1;
	s3 =	smul.u32 $0x500, s3  }
0xb: {  	s4 =	sshrl.u32 s4, $0x2;
	s1 =	ssub.s32 s1, s24;
	s24 =	sadd.s32 s21, s22  }
0xc: {  	s22 =	simm.s32 $0x1;
	s4 =	sadd.s32 s4, s5;
	s5 =	sadd.s32 s7, s5  }
0xd: {  	s21 =	smax.u32 s1, $0x1;
	s24 =	sadd.s32 s26, s24;
	s26 =	simm.s32 $0x400  }
0xe: {  	s0 =	sadd.s32 s3, s0;
	s4 =	sadd.s32 s6, s4;
	s6 =	sadd.s32 $0x80, s5  }
0xf: {  	s7 =	sadd.s32 $0x100, s5;
	s8 =	sadd.s32 $0x180, s5;
	s9 =	sadd.s32 $0x200, s5  }
0x10: {  	s10 =	sadd.s32 $0x280, s5;
	s11 =	sadd.s32 $0x300, s5;
	s12 =	sadd.s32 $0x380, s5  }
0x11: {  	s13 =	sadd.s32 $0x14000, s5;
	s14 =	sadd.s32 $0x14080, s5;
	s15 =	sadd.s32 $0x14100, s5  }
0x12: {  	s16 =	sadd.s32 $0x14180, s5;
	s17 =	sadd.s32 $0x14200, s5;
	s18 =	sadd.s32 $0x14280, s5  }
0x13: {  	v0 =	vimm.f32 $0.0e+00;
	v1 =	vimm.f32 $1.000000000e+00;
	s19 =	sadd.s32 $0x14300, s5;
	s20 =	sadd.s32 $0x14380, s5;
	s3 =	sadd.s32 $0x3C00, s0  }
.LBB2_1:
0x14: {  	s0 =	simm.s32 $0x0  }
0x15: {  	[tilespmem:s0], [sflag:$0x1] =	stream.linear.gather [hbm4b:s3+s0], $0x2780, $0x38;
	[tilespmem:$0x7D00] =	vst v63  }
0x16: {  	_ =	swait.ge [sflag:s22], $0x2780  }
0x17: {  	[sflag:s22] =	ssyncset.done $0x0  }
0x18: {  	s0 =	simm.s32 $0x0;
	[sflag:s22] =	ssyncadd.s32 $0xFFFFD880  }
.LBB2_2:
0x19: {  	p0 =	sne.s32 s0, $0x9FC0  }
.Ltmp0:
0x1a: {  	_ = 	snop;
	(pc) =	sbr.rel @p0 .LBB2_2-.Ltmp0, $3  }
0x1b: {  	_ =	sdelay $0x1  }
0x1c: {  	s1 =	sshra.s32 s0, $0x2  }
0x1d: {  	s0 =	sadd.s32 $0x40, s0;
	[tilespmem:s1+$0x2800] =	vst v0  }
0x1e: {  	s0 =	simm.s32 $0x1C0  }
.LBB2_4:
0x1f: {  	s1 =	sshra.s32 s0, $0x2  }
0x20: {  	v2 =	vld [tilespmem:s1+$0xFFFFFF90];
	_ =	sdelay $0x7  }
0x21: {  	[tilespmem:v2+s23+$0x0] =	vst.idx.add.f32.msk $0xffff, v1  }
0x22: {  	v2 =	vld [tilespmem:s1+$0xFFFFFFA0];
	_ =	sdelay $0x7  }
0x23: {  	[tilespmem:v2+s23+$0x0] =	vst.idx.add.f32.msk $0xffff, v1  }
0x24: {  	v2 =	vld [tilespmem:s1+$0xFFFFFFB0];
	_ =	sdelay $0x7  }
0x25: {  	[tilespmem:v2+s23+$0x0] =	vst.idx.add.f32.msk $0xffff, v1  }
0x26: {  	v2 =	vld [tilespmem:s1+$0xFFFFFFC0];
	_ =	sdelay $0x7  }
0x27: {  	[tilespmem:v2+s23+$0x0] =	vst.idx.add.f32.msk $0xffff, v1  }
0x28: {  	v2 =	vld [tilespmem:s1+$0xFFFFFFD0];
	_ =	sdelay $0x7  }
0x29: {  	[tilespmem:v2+s23+$0x0] =	vst.idx.add.f32.msk $0xffff, v1  }
0x2a: {  	v2 =	vld [tilespmem:s1+$0xFFFFFFE0];
	_ =	sdelay $0x7  }
0x2b: {  	[tilespmem:v2+s23+$0x0] =	vst.idx.add.f32.msk $0xffff, v1  }
0x2c: {  	v2 =	vld [tilespmem:s1+$0xFFFFFFF0];
	_ =	sdelay $0x7  }
0x2d: {  	[tilespmem:v2+s23+$0x0] =	vst.idx.add.f32.msk $0xffff, v1  }
0x2e: {  	v2 =	vld [tilespmem:s1+$0x0];
	_ =	sdelay $0x2  }
0x2f: {  	p0 =	sne.s32 s0, $0x9DC0  }
.Ltmp1:
0x30: {  	_ = 	snop;
	(pc) =	sbr.rel @p0 .LBB2_4-.Ltmp1, $2  }
0x31: {  	_ =	sdelay $0x2  }
0x32: {  	s0 =	sadd.s32 $0x200, s0;
	[tilespmem:v2+s23+$0x0] =	vst.idx.add.f32.msk $0xffff, v1  }
0x33: {  	[spmem:s4] =	stream.strided.scatter [tilespmem:s23], [sflag:$0x1], $0x2800, s26, s25, $0x38;
	[tilespmem:$0x7D00] =	vst v63  }
0x34: {  	_ =	swait.ge [sflag:s22], $0x2800  }
0x35: {  	[sflag:s22] =	ssyncset.done $0x0  }
0x36: {  	[sflag:s22] =	ssyncadd.s32 $0xFFFFD800  }
0x37: {  	[bflag:$0x0] =	sbarrier.arrive $0xFFFF  }
0x38: {  	[tilespmem:$0x5000] =	vst v0  }
0x39: {  	[tilespmem:$0x5010] =	vst v0  }
0x3a: {  	[tilespmem:$0x5020] =	vst v0  }
0x3b: {  	[tilespmem:$0x5030] =	vst v0  }
0x3c: {  	[tilespmem:$0x5040] =	vst v0  }
0x3d: {  	[tilespmem:$0x5050] =	vst v0  }
0x3e: {  	[tilespmem:$0x5060] =	vst v0  }
0x3f: {  	[tilespmem:$0x5070] =	vst v0  }
0x40: {  	[tilespmem:$0x5080] =	vst v0  }
0x41: {  	[tilespmem:$0x5090] =	vst v0  }
0x42: {  	[tilespmem:$0x50A0] =	vst v0  }
0x43: {  	[tilespmem:$0x50B0] =	vst v0  }
0x44: {  	[tilespmem:$0x50C0] =	vst v0  }
0x45: {  	[tilespmem:$0x50D0] =	vst v0  }
0x46: {  	[tilespmem:$0x50E0] =	vst v0  }
0x47: {  	[tilespmem:$0x50F0] =	vst v0  }
0x48: {  	[tilespmem:$0x5100] =	vst v0  }
0x49: {  	[tilespmem:$0x5110] =	vst v0  }
0x4a: {  	[tilespmem:$0x5120] =	vst v0  }
0x4b: {  	[tilespmem:$0x5130] =	vst v0  }
0x4c: {  	[tilespmem:$0x5140] =	vst v0  }
0x4d: {  	[tilespmem:$0x5150] =	vst v0  }
0x4e: {  	[tilespmem:$0x5160] =	vst v0  }
0x4f: {  	[tilespmem:$0x5170] =	vst v0  }
0x50: {  	[tilespmem:$0x5180] =	vst v0  }
0x51: {  	[tilespmem:$0x5190] =	vst v0  }
0x52: {  	[tilespmem:$0x51A0] =	vst v0  }
0x53: {  	[tilespmem:$0x51B0] =	vst v0  }
0x54: {  	[tilespmem:$0x51C0] =	vst v0  }
0x55: {  	[tilespmem:$0x51D0] =	vst v0  }
0x56: {  	[tilespmem:$0x51E0] =	vst v0  }
0x57: {  	[tilespmem:$0x51F0] =	vst v0  }
0x58: {  	[tilespmem:$0x5200] =	vst v0  }
0x59: {  	[tilespmem:$0x5210] =	vst v0  }
0x5a: {  	[tilespmem:$0x5220] =	vst v0  }
0x5b: {  	[tilespmem:$0x5230] =	vst v0  }
0x5c: {  	[tilespmem:$0x5240] =	vst v0  }
0x5d: {  	[tilespmem:$0x5250] =	vst v0  }
0x5e: {  	[tilespmem:$0x5260] =	vst v0  }
0x5f: {  	[tilespmem:$0x5270] =	vst v0  }
0x60: {  	[tilespmem:s28], [sflag:$0x1] =	stream.strided.gather [spmem:s5], $0x280, s26, s25, $0x38;
	[tilespmem:$0x7D00] =	vst v63  }
0x61: {  	_ =	swait.ge [sflag:s22], $0x280  }
0x62: {  	[sflag:s22] =	ssyncset.done $0x0  }
0x63: {  	s0 =	simm.s32 $0x0;
	[sflag:s22] =	ssyncadd.s32 $0xFFFFFD80  }
0x64: {  	s1 =	simm.s32 $0x40;
	v2 =	vld [tilespmem:s0+$0x5280]  }
.LBB2_6:
0x65: {  	p0 =	sne.s32 s1, $0x9C0;
	v3 =	vld [tilespmem:s0+$0x5000];
	_ =	sdelay $0x2  }
.Ltmp2:
0x66: {  	(pc) =	sbr.rel @p0 .LBB2_6-.Ltmp2, $4  }
0x67: {  	_ = 	snop  }
0x68: {  	v3 =	vadd.f32 v2, v3  }
0x69: {  	s2 =	sshra.s32 s1, $0x2  }
0x6a: {  	s1 =	sadd.s32 $0x40, s1;
	v2 =	vld [tilespmem:s2+$0x5280];
	[tilespmem:s0+$0x5000] =	vst v3;
	s0 =	smov.u32 s2  }
0x6b: {  	v3 =	vld [tilespmem:s0+$0x5000];
	_ =	sdelay $0x4  }
0x6c: {  	v2 =	vadd.f32 v2, v3;
	_ =	sdelay $0x1  }
0x6d: {  	[tilespmem:s0+$0x5000] =	vst v2  }
0x6e: {  	[tilespmem:s28], [sflag:$0x1] =	stream.strided.gather [spmem:s6], $0x280, s26, s25, $0x38;
	[tilespmem:$0x7D00] =	vst v63  }
0x6f: {  	_ =	swait.ge [sflag:s22], $0x280  }
0x70: {  	[sflag:s22] =	ssyncset.done $0x0  }
0x71: {  	s0 =	simm.s32 $0x0;
	[sflag:s22] =	ssyncadd.s32 $0xFFFFFD80  }
0x72: {  	s1 =	simm.s32 $0x40;
	v2 =	vld [tilespmem:s0+$0x5280]  }
.LBB2_8:
0x73: {  	p0 =	sne.s32 s1, $0x9C0;
	v3 =	vld [tilespmem:s0+$0x5000];
	_ =	sdelay $0x2  }
.Ltmp3:
0x74: {  	(pc) =	sbr.rel @p0 .LBB2_8-.Ltmp3, $4  }
0x75: {  	_ = 	snop  }
0x76: {  	v3 =	vadd.f32 v2, v3  }
0x77: {  	s2 =	sshra.s32 s1, $0x2  }
0x78: {  	s1 =	sadd.s32 $0x40, s1;
	v2 =	vld [tilespmem:s2+$0x5280];
	[tilespmem:s0+$0x5000] =	vst v3;
	s0 =	smov.u32 s2  }
0x79: {  	v3 =	vld [tilespmem:s0+$0x5000];
	_ =	sdelay $0x4  }
0x7a: {  	v2 =	vadd.f32 v2, v3;
	_ =	sdelay $0x1  }
0x7b: {  	[tilespmem:s0+$0x5000] =	vst v2  }
0x7c: {  	[tilespmem:s28], [sflag:$0x1] =	stream.strided.gather [spmem:s7], $0x280, s26, s25, $0x38;
	[tilespmem:$0x7D00] =	vst v63  }
0x7d: {  	_ =	swait.ge [sflag:s22], $0x280  }
0x7e: {  	[sflag:s22] =	ssyncset.done $0x0  }
0x7f: {  	s0 =	simm.s32 $0x0;
	[sflag:s22] =	ssyncadd.s32 $0xFFFFFD80  }
0x80: {  	s1 =	simm.s32 $0x40;
	v2 =	vld [tilespmem:s0+$0x5280]  }
.LBB2_10:
0x81: {  	p0 =	sne.s32 s1, $0x9C0;
	v3 =	vld [tilespmem:s0+$0x5000];
	_ =	sdelay $0x2  }
.Ltmp4:
0x82: {  	(pc) =	sbr.rel @p0 .LBB2_10-.Ltmp4, $4  }
0x83: {  	_ = 	snop  }
0x84: {  	v3 =	vadd.f32 v2, v3  }
0x85: {  	s2 =	sshra.s32 s1, $0x2  }
0x86: {  	s1 =	sadd.s32 $0x40, s1;
	v2 =	vld [tilespmem:s2+$0x5280];
	[tilespmem:s0+$0x5000] =	vst v3;
	s0 =	smov.u32 s2  }
0x87: {  	v3 =	vld [tilespmem:s0+$0x5000];
	_ =	sdelay $0x4  }
0x88: {  	v2 =	vadd.f32 v2, v3;
	_ =	sdelay $0x1  }
0x89: {  	[tilespmem:s0+$0x5000] =	vst v2  }
0x8a: {  	[tilespmem:s28], [sflag:$0x1] =	stream.strided.gather [spmem:s8], $0x280, s26, s25, $0x38;
	[tilespmem:$0x7D00] =	vst v63  }
0x8b: {  	_ =	swait.ge [sflag:s22], $0x280  }
0x8c: {  	[sflag:s22] =	ssyncset.done $0x0  }
0x8d: {  	s0 =	simm.s32 $0x0;
	[sflag:s22] =	ssyncadd.s32 $0xFFFFFD80  }
0x8e: {  	s1 =	simm.s32 $0x40;
	v2 =	vld [tilespmem:s0+$0x5280]  }
.LBB2_12:
0x8f: {  	p0 =	sne.s32 s1, $0x9C0;
	v3 =	vld [tilespmem:s0+$0x5000];
	_ =	sdelay $0x2  }
.Ltmp5:
0x90: {  	(pc) =	sbr.rel @p0 .LBB2_12-.Ltmp5, $4  }
0x91: {  	_ = 	snop  }
0x92: {  	v3 =	vadd.f32 v2, v3  }
0x93: {  	s2 =	sshra.s32 s1, $0x2  }
0x94: {  	s1 =	sadd.s32 $0x40, s1;
	v2 =	vld [tilespmem:s2+$0x5280];
	[tilespmem:s0+$0x5000] =	vst v3;
	s0 =	smov.u32 s2  }
0x95: {  	v3 =	vld [tilespmem:s0+$0x5000];
	_ =	sdelay $0x4  }
0x96: {  	v2 =	vadd.f32 v2, v3;
	_ =	sdelay $0x1  }
0x97: {  	[tilespmem:s0+$0x5000] =	vst v2  }
0x98: {  	[tilespmem:s28], [sflag:$0x1] =	stream.strided.gather [spmem:s9], $0x280, s26, s25, $0x38;
	[tilespmem:$0x7D00] =	vst v63  }
0x99: {  	_ =	swait.ge [sflag:s22], $0x280  }
0x9a: {  	[sflag:s22] =	ssyncset.done $0x0  }
0x9b: {  	s0 =	simm.s32 $0x0;
	[sflag:s22] =	ssyncadd.s32 $0xFFFFFD80  }
0x9c: {  	s1 =	simm.s32 $0x40;
	v2 =	vld [tilespmem:s0+$0x5280]  }
.LBB2_14:
0x9d: {  	p0 =	sne.s32 s1, $0x9C0;
	v3 =	vld [tilespmem:s0+$0x5000];
	_ =	sdelay $0x2  }
.Ltmp6:
0x9e: {  	(pc) =	sbr.rel @p0 .LBB2_14-.Ltmp6, $4  }
0x9f: {  	_ = 	snop  }
0xa0: {  	v3 =	vadd.f32 v2, v3  }
0xa1: {  	s2 =	sshra.s32 s1, $0x2  }
0xa2: {  	s1 =	sadd.s32 $0x40, s1;
	v2 =	vld [tilespmem:s2+$0x5280];
	[tilespmem:s0+$0x5000] =	vst v3;
	s0 =	smov.u32 s2  }
0xa3: {  	v3 =	vld [tilespmem:s0+$0x5000];
	_ =	sdelay $0x4  }
0xa4: {  	v2 =	vadd.f32 v2, v3;
	_ =	sdelay $0x1  }
0xa5: {  	[tilespmem:s0+$0x5000] =	vst v2  }
0xa6: {  	[tilespmem:s28], [sflag:$0x1] =	stream.strided.gather [spmem:s10], $0x280, s26, s25, $0x38;
	[tilespmem:$0x7D00] =	vst v63  }
0xa7: {  	_ =	swait.ge [sflag:s22], $0x280  }
0xa8: {  	[sflag:s22] =	ssyncset.done $0x0  }
0xa9: {  	s0 =	simm.s32 $0x0;
	[sflag:s22] =	ssyncadd.s32 $0xFFFFFD80  }
0xaa: {  	s1 =	simm.s32 $0x40;
	v2 =	vld [tilespmem:s0+$0x5280]  }
.LBB2_16:
0xab: {  	p0 =	sne.s32 s1, $0x9C0;
	v3 =	vld [tilespmem:s0+$0x5000];
	_ =	sdelay $0x2  }
.Ltmp7:
0xac: {  	(pc) =	sbr.rel @p0 .LBB2_16-.Ltmp7, $4  }
0xad: {  	_ = 	snop  }
0xae: {  	v3 =	vadd.f32 v2, v3  }
0xaf: {  	s2 =	sshra.s32 s1, $0x2  }
0xb0: {  	s1 =	sadd.s32 $0x40, s1;
	v2 =	vld [tilespmem:s2+$0x5280];
	[tilespmem:s0+$0x5000] =	vst v3;
	s0 =	smov.u32 s2  }
0xb1: {  	v3 =	vld [tilespmem:s0+$0x5000];
	_ =	sdelay $0x4  }
0xb2: {  	v2 =	vadd.f32 v2, v3;
	_ =	sdelay $0x1  }
0xb3: {  	[tilespmem:s0+$0x5000] =	vst v2  }
0xb4: {  	[tilespmem:s28], [sflag:$0x1] =	stream.strided.gather [spmem:s11], $0x280, s26, s25, $0x38;
	[tilespmem:$0x7D00] =	vst v63  }
0xb5: {  	_ =	swait.ge [sflag:s22], $0x280  }
0xb6: {  	[sflag:s22] =	ssyncset.done $0x0  }
0xb7: {  	s0 =	simm.s32 $0x0;
	[sflag:s22] =	ssyncadd.s32 $0xFFFFFD80  }
0xb8: {  	s1 =	simm.s32 $0x40;
	v2 =	vld [tilespmem:s0+$0x5280]  }
.LBB2_18:
0xb9: {  	p0 =	sne.s32 s1, $0x9C0;
	v3 =	vld [tilespmem:s0+$0x5000];
	_ =	sdelay $0x2  }
.Ltmp8:
0xba: {  	(pc) =	sbr.rel @p0 .LBB2_18-.Ltmp8, $4  }
0xbb: {  	_ = 	snop  }
0xbc: {  	v3 =	vadd.f32 v2, v3  }
0xbd: {  	s2 =	sshra.s32 s1, $0x2  }
0xbe: {  	s1 =	sadd.s32 $0x40, s1;
	v2 =	vld [tilespmem:s2+$0x5280];
	[tilespmem:s0+$0x5000] =	vst v3;
	s0 =	smov.u32 s2  }
0xbf: {  	v3 =	vld [tilespmem:s0+$0x5000];
	_ =	sdelay $0x4  }
0xc0: {  	v2 =	vadd.f32 v2, v3;
	_ =	sdelay $0x1  }
0xc1: {  	[tilespmem:s0+$0x5000] =	vst v2  }
0xc2: {  	[tilespmem:s28], [sflag:$0x1] =	stream.strided.gather [spmem:s12], $0x280, s26, s25, $0x38;
	[tilespmem:$0x7D00] =	vst v63  }
0xc3: {  	_ =	swait.ge [sflag:s22], $0x280  }
0xc4: {  	[sflag:s22] =	ssyncset.done $0x0  }
0xc5: {  	s0 =	simm.s32 $0x0;
	[sflag:s22] =	ssyncadd.s32 $0xFFFFFD80  }
0xc6: {  	s1 =	simm.s32 $0x40;
	v2 =	vld [tilespmem:s0+$0x5280]  }
.LBB2_20:
0xc7: {  	p0 =	sne.s32 s1, $0x9C0;
	v3 =	vld [tilespmem:s0+$0x5000];
	_ =	sdelay $0x2  }
.Ltmp9:
0xc8: {  	(pc) =	sbr.rel @p0 .LBB2_20-.Ltmp9, $4  }
0xc9: {  	_ = 	snop  }
0xca: {  	v3 =	vadd.f32 v2, v3  }
0xcb: {  	s2 =	sshra.s32 s1, $0x2  }
0xcc: {  	s1 =	sadd.s32 $0x40, s1;
	v2 =	vld [tilespmem:s2+$0x5280];
	[tilespmem:s0+$0x5000] =	vst v3;
	s0 =	smov.u32 s2  }
0xcd: {  	v3 =	vld [tilespmem:s0+$0x5000];
	_ =	sdelay $0x4  }
0xce: {  	v2 =	vadd.f32 v2, v3;
	_ =	sdelay $0x1  }
0xcf: {  	[tilespmem:s0+$0x5000] =	vst v2  }
0xd0: {  	[tilespmem:s28], [sflag:$0x1] =	stream.strided.gather [spmem:s13], $0x280, s26, s25, $0x38;
	[tilespmem:$0x7D00] =	vst v63  }
0xd1: {  	_ =	swait.ge [sflag:s22], $0x280  }
0xd2: {  	[sflag:s22] =	ssyncset.done $0x0  }
0xd3: {  	s0 =	simm.s32 $0x0;
	[sflag:s22] =	ssyncadd.s32 $0xFFFFFD80  }
0xd4: {  	s1 =	simm.s32 $0x40;
	v2 =	vld [tilespmem:s0+$0x5280]  }
.LBB2_22:
0xd5: {  	p0 =	sne.s32 s1, $0x9C0;
	v3 =	vld [tilespmem:s0+$0x5000];
	_ =	sdelay $0x2  }
.Ltmp10:
0xd6: {  	(pc) =	sbr.rel @p0 .LBB2_22-.Ltmp10, $4  }
0xd7: {  	_ = 	snop  }
0xd8: {  	v3 =	vadd.f32 v2, v3  }
0xd9: {  	s2 =	sshra.s32 s1, $0x2  }
0xda: {  	s1 =	sadd.s32 $0x40, s1;
	v2 =	vld [tilespmem:s2+$0x5280];
	[tilespmem:s0+$0x5000] =	vst v3;
	s0 =	smov.u32 s2  }
0xdb: {  	v3 =	vld [tilespmem:s0+$0x5000];
	_ =	sdelay $0x4  }
0xdc: {  	v2 =	vadd.f32 v2, v3;
	_ =	sdelay $0x1  }
0xdd: {  	[tilespmem:s0+$0x5000] =	vst v2  }
0xde: {  	[tilespmem:s28], [sflag:$0x1] =	stream.strided.gather [spmem:s14], $0x280, s26, s25, $0x38;
	[tilespmem:$0x7D00] =	vst v63  }
0xdf: {  	_ =	swait.ge [sflag:s22], $0x280  }
0xe0: {  	[sflag:s22] =	ssyncset.done $0x0  }
0xe1: {  	s0 =	simm.s32 $0x0;
	[sflag:s22] =	ssyncadd.s32 $0xFFFFFD80  }
0xe2: {  	s1 =	simm.s32 $0x40;
	v2 =	vld [tilespmem:s0+$0x5280]  }
.LBB2_24:
0xe3: {  	p0 =	sne.s32 s1, $0x9C0;
	v3 =	vld [tilespmem:s0+$0x5000];
	_ =	sdelay $0x2  }
.Ltmp11:
0xe4: {  	(pc) =	sbr.rel @p0 .LBB2_24-.Ltmp11, $4  }
0xe5: {  	_ = 	snop  }
0xe6: {  	v3 =	vadd.f32 v2, v3  }
0xe7: {  	s2 =	sshra.s32 s1, $0x2  }
0xe8: {  	s1 =	sadd.s32 $0x40, s1;
	v2 =	vld [tilespmem:s2+$0x5280];
	[tilespmem:s0+$0x5000] =	vst v3;
	s0 =	smov.u32 s2  }
0xe9: {  	v3 =	vld [tilespmem:s0+$0x5000];
	_ =	sdelay $0x4  }
0xea: {  	v2 =	vadd.f32 v2, v3;
	_ =	sdelay $0x1  }
0xeb: {  	[tilespmem:s0+$0x5000] =	vst v2  }
0xec: {  	[tilespmem:s28], [sflag:$0x1] =	stream.strided.gather [spmem:s15], $0x280, s26, s25, $0x38;
	[tilespmem:$0x7D00] =	vst v63  }
0xed: {  	_ =	swait.ge [sflag:s22], $0x280  }
0xee: {  	[sflag:s22] =	ssyncset.done $0x0  }
0xef: {  	s0 =	simm.s32 $0x0;
	[sflag:s22] =	ssyncadd.s32 $0xFFFFFD80  }
0xf0: {  	s1 =	simm.s32 $0x40;
	v2 =	vld [tilespmem:s0+$0x5280]  }
.LBB2_26:
0xf1: {  	p0 =	sne.s32 s1, $0x9C0;
	v3 =	vld [tilespmem:s0+$0x5000];
	_ =	sdelay $0x2  }
.Ltmp12:
0xf2: {  	(pc) =	sbr.rel @p0 .LBB2_26-.Ltmp12, $4  }
0xf3: {  	_ = 	snop  }
0xf4: {  	v3 =	vadd.f32 v2, v3  }
0xf5: {  	s2 =	sshra.s32 s1, $0x2  }
0xf6: {  	s1 =	sadd.s32 $0x40, s1;
	v2 =	vld [tilespmem:s2+$0x5280];
	[tilespmem:s0+$0x5000] =	vst v3;
	s0 =	smov.u32 s2  }
0xf7: {  	v3 =	vld [tilespmem:s0+$0x5000];
	_ =	sdelay $0x4  }
0xf8: {  	v2 =	vadd.f32 v2, v3;
	_ =	sdelay $0x1  }
0xf9: {  	[tilespmem:s0+$0x5000] =	vst v2  }
0xfa: {  	[tilespmem:s28], [sflag:$0x1] =	stream.strided.gather [spmem:s16], $0x280, s26, s25, $0x38;
	[tilespmem:$0x7D00] =	vst v63  }
0xfb: {  	_ =	swait.ge [sflag:s22], $0x280  }
0xfc: {  	[sflag:s22] =	ssyncset.done $0x0  }
0xfd: {  	s0 =	simm.s32 $0x0;
	[sflag:s22] =	ssyncadd.s32 $0xFFFFFD80  }
0xfe: {  	s1 =	simm.s32 $0x40;
	v2 =	vld [tilespmem:s0+$0x5280]  }
.LBB2_28:
0xff: {  	p0 =	sne.s32 s1, $0x9C0;
	v3 =	vld [tilespmem:s0+$0x5000];
	_ =	sdelay $0x2  }
.Ltmp13:
0x100: {  	(pc) =	sbr.rel @p0 .LBB2_28-.Ltmp13, $4  }
0x101: {  	_ = 	snop  }
0x102: {  	v3 =	vadd.f32 v2, v3  }
0x103: {  	s2 =	sshra.s32 s1, $0x2  }
0x104: {  	s1 =	sadd.s32 $0x40, s1;
	v2 =	vld [tilespmem:s2+$0x5280];
	[tilespmem:s0+$0x5000] =	vst v3;
	s0 =	smov.u32 s2  }
0x105: {  	v3 =	vld [tilespmem:s0+$0x5000];
	_ =	sdelay $0x4  }
0x106: {  	v2 =	vadd.f32 v2, v3;
	_ =	sdelay $0x1  }
0x107: {  	[tilespmem:s0+$0x5000] =	vst v2  }
0x108: {  	[tilespmem:s28], [sflag:$0x1] =	stream.strided.gather [spmem:s17], $0x280, s26, s25, $0x38;
	[tilespmem:$0x7D00] =	vst v63  }
0x109: {  	_ =	swait.ge [sflag:s22], $0x280  }
0x10a: {  	[sflag:s22] =	ssyncset.done $0x0  }
0x10b: {  	s0 =	simm.s32 $0x0;
	[sflag:s22] =	ssyncadd.s32 $0xFFFFFD80  }
0x10c: {  	s1 =	simm.s32 $0x40;
	v2 =	vld [tilespmem:s0+$0x5280]  }
.LBB2_30:
0x10d: {  	p0 =	sne.s32 s1, $0x9C0;
	v3 =	vld [tilespmem:s0+$0x5000];
	_ =	sdelay $0x2  }
.Ltmp14:
0x10e: {  	(pc) =	sbr.rel @p0 .LBB2_30-.Ltmp14, $4  }
0x10f: {  	_ = 	snop  }
0x110: {  	v3 =	vadd.f32 v2, v3  }
0x111: {  	s2 =	sshra.s32 s1, $0x2  }
0x112: {  	s1 =	sadd.s32 $0x40, s1;
	v2 =	vld [tilespmem:s2+$0x5280];
	[tilespmem:s0+$0x5000] =	vst v3;
	s0 =	smov.u32 s2  }
0x113: {  	v3 =	vld [tilespmem:s0+$0x5000];
	_ =	sdelay $0x4  }
0x114: {  	v2 =	vadd.f32 v2, v3;
	_ =	sdelay $0x1  }
0x115: {  	[tilespmem:s0+$0x5000] =	vst v2  }
0x116: {  	[tilespmem:s28], [sflag:$0x1] =	stream.strided.gather [spmem:s18], $0x280, s26, s25, $0x38;
	[tilespmem:$0x7D00] =	vst v63  }
0x117: {  	_ =	swait.ge [sflag:s22], $0x280  }
0x118: {  	[sflag:s22] =	ssyncset.done $0x0  }
0x119: {  	s0 =	simm.s32 $0x0;
	[sflag:s22] =	ssyncadd.s32 $0xFFFFFD80  }
0x11a: {  	s1 =	simm.s32 $0x40;
	v2 =	vld [tilespmem:s0+$0x5280]  }
.LBB2_32:
0x11b: {  	p0 =	sne.s32 s1, $0x9C0;
	v3 =	vld [tilespmem:s0+$0x5000];
	_ =	sdelay $0x2  }
.Ltmp15:
0x11c: {  	(pc) =	sbr.rel @p0 .LBB2_32-.Ltmp15, $4  }
0x11d: {  	_ = 	snop  }
0x11e: {  	v3 =	vadd.f32 v2, v3  }
0x11f: {  	s2 =	sshra.s32 s1, $0x2  }
0x120: {  	s1 =	sadd.s32 $0x40, s1;
	v2 =	vld [tilespmem:s2+$0x5280];
	[tilespmem:s0+$0x5000] =	vst v3;
	s0 =	smov.u32 s2  }
0x121: {  	v3 =	vld [tilespmem:s0+$0x5000];
	_ =	sdelay $0x4  }
0x122: {  	v2 =	vadd.f32 v2, v3;
	_ =	sdelay $0x1  }
0x123: {  	[tilespmem:s0+$0x5000] =	vst v2  }
0x124: {  	[tilespmem:s28], [sflag:$0x1] =	stream.strided.gather [spmem:s19], $0x280, s26, s25, $0x38;
	[tilespmem:$0x7D00] =	vst v63  }
0x125: {  	_ =	swait.ge [sflag:s22], $0x280  }
0x126: {  	[sflag:s22] =	ssyncset.done $0x0  }
0x127: {  	s0 =	simm.s32 $0x0;
	[sflag:s22] =	ssyncadd.s32 $0xFFFFFD80  }
0x128: {  	s1 =	simm.s32 $0x40;
	v2 =	vld [tilespmem:s0+$0x5280]  }
.LBB2_34:
0x129: {  	p0 =	sne.s32 s1, $0x9C0;
	v3 =	vld [tilespmem:s0+$0x5000];
	_ =	sdelay $0x2  }
.Ltmp16:
0x12a: {  	(pc) =	sbr.rel @p0 .LBB2_34-.Ltmp16, $4  }
0x12b: {  	_ = 	snop  }
0x12c: {  	v3 =	vadd.f32 v2, v3  }
0x12d: {  	s2 =	sshra.s32 s1, $0x2  }
0x12e: {  	s1 =	sadd.s32 $0x40, s1;
	v2 =	vld [tilespmem:s2+$0x5280];
	[tilespmem:s0+$0x5000] =	vst v3;
	s0 =	smov.u32 s2  }
0x12f: {  	v3 =	vld [tilespmem:s0+$0x5000];
	_ =	sdelay $0x4  }
0x130: {  	v2 =	vadd.f32 v2, v3;
	_ =	sdelay $0x1  }
0x131: {  	[tilespmem:s0+$0x5000] =	vst v2  }
0x132: {  	[tilespmem:s28], [sflag:$0x1] =	stream.strided.gather [spmem:s20], $0x280, s26, s25, $0x38;
	[tilespmem:$0x7D00] =	vst v63  }
0x133: {  	_ =	swait.ge [sflag:s22], $0x280  }
0x134: {  	[sflag:s22] =	ssyncset.done $0x0  }
0x135: {  	s0 =	simm.s32 $0x0;
	[sflag:s22] =	ssyncadd.s32 $0xFFFFFD80  }
0x136: {  	s1 =	simm.s32 $0x40;
	v2 =	vld [tilespmem:s0+$0x5280]  }
.LBB2_36:
0x137: {  	p0 =	sne.s32 s1, $0x9C0;
	v3 =	vld [tilespmem:s0+$0x5000];
	_ =	sdelay $0x2  }
.Ltmp17:
0x138: {  	(pc) =	sbr.rel @p0 .LBB2_36-.Ltmp17, $4  }
0x139: {  	_ = 	snop  }
0x13a: {  	v3 =	vadd.f32 v2, v3  }
0x13b: {  	s2 =	sshra.s32 s1, $0x2  }
0x13c: {  	s1 =	sadd.s32 $0x40, s1;
	v2 =	vld [tilespmem:s2+$0x5280];
	[tilespmem:s0+$0x5000] =	vst v3;
	s0 =	smov.u32 s2  }
0x13d: {  	v3 =	vld [tilespmem:s0+$0x5000];
	_ =	sdelay $0x4  }
0x13e: {  	s31 =	sadd.s32 $0x1, s31;
	v2 =	vadd.f32 v2, v3  }
0x13f: {  	p0 =	sne.s32 s31, s21  }
.Ltmp18:
0x140: {  	[tilespmem:s0+$0x5000] =	vst v2;
	(pc) =	sbr.rel @p0 .LBB2_1-.Ltmp18, $4  }
0x141: {  	[hbm4b:s24+s25] =	stream.strided.scatter [tilespmem:s30], [sflag:$0x1], $0x280, s29, s25, $0x38;
	[tilespmem:$0x7D00] =	vst v63  }
0x142: {  	_ =	swait.ge [sflag:s22], $0x280  }
0x143: {  	[sflag:s22] =	ssyncset.done $0x0  }
0x144: {  	[sflag:s22] =	ssyncadd.s32 $0xFFFFFD80  }
0x145: {  	_ =	sfence.sel $0x180000  }
0x146: {  	[bflag:$0x0] =	sbarrier.arrive $0xFFFF  }
0x147: {  	_ =	strace $0x90000047  }
0x148: {  	s0 =	stileid.u32;
	[bflag:$0x2] =	sbarrier.arrive $0xFFFF  }
0x149: {  	p0 =	sne.s32 s0, $0x0;
	s0 =	rddreg [dreg:$0x3]  }
0x14a: {  	s0 =	sadd.s32 @!p0 $0x100000, s0  }
0x14b: {  	[sflag:s0] =	ssyncadd.tile.s32 @!p0 $0x1;
	_ =	shalt  }
.Lfunc_end2:
_tile_overlayer_lowered:
.L_overlay_start_2:
0x14c: {  	(tag) =	ssettag $0x2  }
0x14d: {  	s0 =	rddreg [dreg:$0x0];
	s2 =	stileid.u32  }
0x14e: {  	s1 =	rddreg [dreg:$0x1];
	p0 =	sne.s32 s2, $0x0  }
0x14f: {  	s3 =	rddreg [dreg:$0x2];
	[bflag:$0x3] =	sbarrier.arrive $0xFFFF;
	s2 =	simm.s32 @!p0 $0x1C01  }
0x150: {  	[timem:s3], [sflag:s2] =	dma.local @!p0 [hbm:s0], s1  }
0x151: {  	s0 =	simm.s32 @!p0 $0x1  }
0x152: {  	_ =	swait.ge @!p0 [sflag:s0], s1  }
0x153: {  	s1 =	ssub.s32 @!p0 $0x0, s1;
	[sflag:s0] =	ssyncset.done @!p0 $0x0  }
0x154: {  	[sflag:s0] =	ssyncadd.s32 @!p0 s1  }
0x155: {  	[bflag:$0x3] =	sbarrier.arrive $0xFFFF  }
0x156: {  	_ =	shalt  }

</sc_bundles>
